<compile_context>
chip_gen: v7x
topology: tpu7x:2x2x1
jax: 0.10.2.dev20260603
libtpu: 0.0.44.dev20260713+nightly
codegen_flags: <defaults>
</compile_context>

<pallas_src>
import functools

import jax
import jax.numpy as jnp
from jax import lax
from jax.experimental import pallas as pl
from jax.experimental.pallas import tpu as pltpu
from jax.experimental.pallas import tpu_sc as plsc

HID = 768
EPS = 1e-12



def _sc_gather(idx_flat, table):
    n = idx_flat.shape[0]
    info = plsc.get_sparse_core_info()
    nw = info.num_cores * info.num_subcores
    per_w = n // nw
    chunk = 80
    n_pair = per_w // (2 * chunk)
    assert per_w % (2 * chunk) == 0 and chunk % 8 == 0

    mesh = plsc.VectorSubcoreMesh(core_axis_name="c", subcore_axis_name="s")

    @functools.partial(
        pl.kernel,
        out_type=jax.ShapeDtypeStruct((n, HID), jnp.float32),
        mesh=mesh,
        compiler_params=pltpu.CompilerParams(use_tc_tiling_on_sc=True),
        scratch_types=[
            pltpu.VMEM((per_w,), jnp.int32),
            pltpu.VMEM((2, chunk, HID), jnp.float32),
            pltpu.SemaphoreType.DMA,
            pltpu.SemaphoreType.DMA,
            pltpu.SemaphoreType.DMA,
        ],
    )
    def gather_kernel(idx_hbm, table_hbm, out_hbm, idx_v, rows_v, isem, g0, g1):
        wid = lax.axis_index("s") * info.num_cores + lax.axis_index("c")
        base = wid * per_w
        pltpu.async_copy(idx_hbm.at[pl.ds(base, per_w)], idx_v, isem).wait()

        def body(j, carry):
            o0 = j * (2 * chunk)
            h0 = pltpu.async_copy(
                table_hbm.at[idx_v.at[pl.ds(o0, chunk)]], rows_v.at[0], g0)
            h1 = pltpu.async_copy(
                table_hbm.at[idx_v.at[pl.ds(o0 + chunk, chunk)]], rows_v.at[1], g1)
            h0.wait()
            pltpu.sync_copy(rows_v.at[0], out_hbm.at[pl.ds(base + o0, chunk)])
            h1.wait()
            pltpu.sync_copy(rows_v.at[1],
                            out_hbm.at[pl.ds(base + o0 + chunk, chunk)])
            return carry

        lax.fori_loop(0, n_pair, body, 0)

    return gather_kernel(idx_flat, table)



def _ln_rows(x, w, b):
    mu = jnp.mean(x, axis=-1, keepdims=True)
    d = x - mu
    var = jnp.mean(d * d, axis=-1, keepdims=True)
    return d * lax.rsqrt(var + EPS) * w + b


def _text_ln(gathered_t, ptt, lnp, b, s, tp=2):
    def body(g_ref, ptt_ref, lnp_ref, o_ref):
        x = g_ref[...].reshape(tp, b, HID) + ptt_ref[...]
        o_ref[...] = _ln_rows(x, lnp_ref[0:1], lnp_ref[1:2])

    return pl.pallas_call(
        body,
        grid=(s // tp,),
        in_specs=[
            pl.BlockSpec((tp * b, HID), lambda i: (i, 0)),
            pl.BlockSpec((tp, 1, HID), lambda i: (i, 0, 0)),
            pl.BlockSpec((2, HID), lambda i: (0, 0)),
        ],
        out_specs=pl.BlockSpec((tp, b, HID), lambda i: (i, 0, 0)),
        out_shape=jax.ShapeDtypeStruct((s, b, HID), jnp.float32),
    )(gathered_t, ptt.reshape(s, 1, HID), lnp)



def _image_side(feat_t, loc_t2, img_W, loc_W, iparams, bb=1024):
    nbox, b, vfeat = feat_t.shape
    jb = b // bb

    def body(f_ref, l_ref, w_ref, lw_ref, p_ref, o_ref):
        acc = lax.dot_general(f_ref[...].reshape(bb, vfeat), w_ref[...],
                              (((1,), (0,)), ((), ())),
                              preferred_element_type=jnp.float32)
        img = _ln_rows(acc + p_ref[0:1], p_ref[1:2], p_ref[2:3])
        lacc = lax.dot_general(l_ref[...], lw_ref[...],
                               (((0,), (0,)), ((), ())),
                               preferred_element_type=jnp.float32)
        loc_e = _ln_rows(lacc + p_ref[3:4], p_ref[4:5], p_ref[5:6])
        y = _ln_rows(img + loc_e + p_ref[8:9], p_ref[6:7], p_ref[7:8])
        o_ref[...] = y.reshape(1, bb, HID)

    return pl.pallas_call(
        body,
        grid=(nbox, jb),
        in_specs=[
            pl.BlockSpec((1, bb, vfeat), lambda i, j: (i, j, 0)),
            pl.BlockSpec((5, bb), lambda i, j, _jb=jb: (0, i * _jb + j)),
            pl.BlockSpec((vfeat, HID), lambda i, j: (0, 0)),
            pl.BlockSpec((5, HID), lambda i, j: (0, 0)),
            pl.BlockSpec((9, HID), lambda i, j: (0, 0)),
        ],
        out_specs=pl.BlockSpec((1, bb, HID), lambda i, j: (i, j, 0)),
        out_shape=jax.ShapeDtypeStruct((nbox, b, HID), jnp.float32),
    )(feat_t, loc_t2, img_W, loc_W, iparams)



def kernel(token_ids, image_feat, image_loc, word_emb, pos_emb, type_emb,
           ln_w, ln_b, img_W, img_b, loc_W, loc_b,
           img_ln_w, img_ln_b, loc_ln_w, loc_ln_b, v_ln_w, v_ln_b):
    b, s = token_ids.shape
    nbox, vfeat = image_feat.shape[1], image_feat.shape[2]

    idx_t = token_ids.T.reshape(-1).astype(jnp.int32)
    gathered_t = _sc_gather(idx_t, word_emb)

    ptt = pos_emb[:s] + type_emb[0]
    lnp = jnp.stack([ln_w, ln_b])
    text_t = _text_ln(gathered_t, ptt, lnp, b, s)

    feat_t = image_feat.transpose(1, 0, 2)
    loc_t2 = image_loc.transpose(2, 1, 0).reshape(image_loc.shape[2], -1)
    iparams = jnp.stack([img_b, img_ln_w, img_ln_b,
                         loc_b, loc_ln_w, loc_ln_b,
                         v_ln_w, v_ln_b, type_emb[1]])
    v_t = _image_side(feat_t, loc_t2, img_W, loc_W, iparams)

    return (text_t.transpose(1, 0, 2), v_t.transpose(1, 0, 2))

# --- scband reference (transcript-rebuilt; emitter-appended) ---
"""Pipeline reference for scband-uniter-embeddings-16063177687407 (READ-ONLY COPY).

The authoritative reference and input builder live on the scoring server;
editing this copy changes nothing except your own understanding.
"""

import jax, jax.numpy as jnp
import numpy as np

VOCAB = 30522
HID = 768
MAXPOS = 512
NTYPE = 2
VFEAT = 2048
NLOCS = 5
B = 1024
S = 50
NBOX = 36


def _ln(x, w, b, eps=1e-12):
    mu = jnp.mean(x, axis=-1, keepdims=True)
    var = jnp.mean((x - mu) ** 2, axis=-1, keepdims=True)
    return (x - mu) / jnp.sqrt(var + eps) * w + b


def setup_inputs(seed: int = 0) -> dict:
    key = jax.random.key(seed)
    ks = jax.random.split(key, 10)
    token_ids = jax.random.randint(ks[0], (B, S), 0, VOCAB, dtype=jnp.int64 if jax.config.jax_enable_x64 else jnp.int32)
    image_feat = jax.random.normal(ks[1], (B, NBOX, VFEAT), dtype=jnp.float32)
    image_loc = jax.random.normal(ks[2], (B, NBOX, NLOCS), dtype=jnp.float32)
    word_emb = jax.random.normal(ks[3], (VOCAB, HID), dtype=jnp.float32) * 0.02
    word_emb = word_emb.at[0].set(0.0)  # padding_idx=0
    pos_emb = jax.random.normal(ks[4], (MAXPOS, HID), dtype=jnp.float32) * 0.02
    type_emb = jax.random.normal(ks[5], (NTYPE, HID), dtype=jnp.float32) * 0.02
    img_W = jax.random.normal(ks[6], (VFEAT, HID), dtype=jnp.float32) * (1.0 / np.sqrt(VFEAT))
    img_b = jnp.zeros((HID,), dtype=jnp.float32)
    loc_W = jax.random.normal(ks[7], (NLOCS, HID), dtype=jnp.float32) * (1.0 / np.sqrt(NLOCS))
    loc_b = jnp.zeros((HID,), dtype=jnp.float32)
    ln_w = jnp.ones((HID,), dtype=jnp.float32)
    ln_b = jnp.zeros((HID,), dtype=jnp.float32)
    img_ln_w = jnp.ones((HID,), dtype=jnp.float32)
    img_ln_b = jnp.zeros((HID,), dtype=jnp.float32)
    loc_ln_w = jnp.ones((HID,), dtype=jnp.float32)
    loc_ln_b = jnp.zeros((HID,), dtype=jnp.float32)
    v_ln_w = jnp.ones((HID,), dtype=jnp.float32)  # special_initialize: copy of ln_w
    v_ln_b = jnp.zeros((HID,), dtype=jnp.float32)
    return {
        "token_ids": token_ids, "image_feat": image_feat, "image_loc": image_loc,
        "word_emb": word_emb, "pos_emb": pos_emb, "type_emb": type_emb,
        "ln_w": ln_w, "ln_b": ln_b,
        "img_W": img_W, "img_b": img_b, "loc_W": loc_W, "loc_b": loc_b,
        "img_ln_w": img_ln_w, "img_ln_b": img_ln_b,
        "loc_ln_w": loc_ln_w, "loc_ln_b": loc_ln_b,
        "v_ln_w": v_ln_w, "v_ln_b": v_ln_b,
    }


def reference(token_ids, image_feat, image_loc, word_emb, pos_emb, type_emb,
              ln_w, ln_b, img_W, img_b, loc_W, loc_b,
              img_ln_w, img_ln_b, loc_ln_w, loc_ln_b, v_ln_w, v_ln_b):
    seq_length = token_ids.shape[1]
    position_ids = jnp.arange(seq_length)
    words_embeddings = jnp.take(word_emb, token_ids, axis=0)          # [B,S,H]
    position_embeddings = jnp.take(pos_emb, position_ids, axis=0)     # [S,H] broadcast
    token_type_embeddings = type_emb[0]                               # token_type_ids = zeros
    embeddings = words_embeddings + position_embeddings[None, :, :] + token_type_embeddings
    embeddings = _ln(embeddings, ln_w, ln_b)
    # dropout = identity (eval mode)
    img_embeddings = _ln(jnp.einsum('bnf,fh->bnh', image_feat, img_W) + img_b, img_ln_w, img_ln_b)
    loc_embeddings = _ln(jnp.einsum('bnl,lh->bnh', image_loc, loc_W) + loc_b, loc_ln_w, loc_ln_b)
    v_token_type_embeddings = type_emb[1]                             # img_type_ids = ones
    v_embeddings = img_embeddings + loc_embeddings + v_token_type_embeddings
    v_embeddings = _ln(v_embeddings, v_ln_w, v_ln_b)
    return (embeddings, v_embeddings)

if __name__ == "__main__":
    import jax
    _d = setup_inputs()
    print(jax.jit(kernel)(*tuple(_d.values())))

</pallas_src>

<mosaic_0001>
#map = affine_map<(d0, d1) -> (0)>
#map1 = affine_map<(d0, d1) -> (0, 0)>
module attributes {stable_mosaic.version = 14 : i64} {
  func.func @gather_kernel(%arg0: i32, %arg1: i32, %arg2: memref<51200xi32, #tpu.memory_space<hbm>>, %arg3: memref<30522x768xf32, #tpu.memory_space<hbm>>, %arg4: memref<51200x768xf32, #tpu.memory_space<hbm>>, %arg5: memref<1600xi32, #tpu.memory_space<vmem>>, %arg6: memref<2x80x768xf32, #tpu.memory_space<vmem>>, %arg7: memref<!tpu.dma_semaphore, #tpu.memory_space<semaphore_mem>>, %arg8: memref<!tpu.dma_semaphore, #tpu.memory_space<semaphore_mem>>, %arg9: memref<!tpu.dma_semaphore, #tpu.memory_space<semaphore_mem>>) attributes {dimension_semantics = [#tpu.dimension_semantics<core_parallel>, #tpu.dimension_semantics<subcore_parallel>], iteration_bounds = array<i64: 2, 16>, scalar_prefetch = 0 : i64, scratch_operands = 5 : i64, tpu.core_type = #tpu.core_type<sc_vector_subcore>, window_params = [{transform_indices = #map}, {transform_indices = #map1}, {transform_indices = #map1}]} {
    %mul3A = arith.constant 2 : i32
    %mul3A_0 = arith.muli %arg1, %mul3A : i32
    %add3A = arith.addi %mul3A_0, %arg0 : i32
    %mul3A_1 = arith.constant 1600 : i32
    %mul3A_2 = arith.muli %add3A, %mul3A_1 : i32
    %dma_start3A = tpu.memref_slice %arg2[%mul3A_2] : memref<51200xi32, #tpu.memory_space<hbm>> -> memref<1600xi32, #tpu.memory_space<hbm>>
    %dma_start3A_3 = tpu.memref_slice %arg2[%mul3A_2] : memref<51200xi32, #tpu.memory_space<hbm>> -> memref<1600xi32, #tpu.memory_space<hbm>>
    tpu.enqueue_dma source(%dma_start3A_3 : memref<1600xi32, #tpu.memory_space<hbm>>) target(%arg5 : memref<1600xi32, #tpu.memory_space<vmem>>) target_semaphore(%arg7 : memref<!tpu.dma_semaphore, #tpu.memory_space<semaphore_mem>>)
    %dma_wait3A = tpu.memref_slice %arg2[%mul3A_2] : memref<51200xi32, #tpu.memory_space<hbm>> -> memref<1600xi32, #tpu.memory_space<hbm>>
    %dma_wait3A_4 = tpu.memref_slice %arg2[%mul3A_2] : memref<51200xi32, #tpu.memory_space<hbm>> -> memref<1600xi32, #tpu.memory_space<hbm>>
    tpu.wait_dma2 semaphore(%arg7 : memref<!tpu.dma_semaphore, #tpu.memory_space<semaphore_mem>>) src(%dma_wait3A_4 : memref<1600xi32, #tpu.memory_space<hbm>>) dst(%arg5 : memref<1600xi32, #tpu.memory_space<vmem>>)
    %scan3A = arith.constant 0 : i32
    %scan3A_5 = arith.constant 0 : i32
    %scan3A_6 = arith.constant 10 : i32
    %scan3A_7 = arith.addi %scan3A_5, %scan3A_6 : i32
    %scan3A_8 = arith.constant 1 : i32
    scf.for %scan3A_10 = %scan3A_5 to %scan3A_7 step %scan3A_8  : i32 {
      %mul3A_11 = arith.constant 160 : i32
      %mul3A_12 = arith.muli %scan3A_10, %mul3A_11 : i32
      %dma_start3A_13 = arith.constant 0 : i32
      %dma_start3A_14 = arith.constant 0 : i32
      %dma_start3A_15 = arith.constant 0 : i32
      %dma_start3A_16 = tpu.memref_slice %arg6[%dma_start3A_13, %dma_start3A_14, %dma_start3A_15] : memref<2x80x768xf32, #tpu.memory_space<vmem>> -> memref<1x80x768xf32, #tpu.memory_space<vmem>>
      %dma_start3A_17 = tpu.memref_squeeze %dma_start3A_16 : memref<1x80x768xf32, #tpu.memory_space<vmem>> -> memref<80x768xf32, #tpu.memory_space<vmem>>
      %dma_start3A_18 = tpu.memref_slice %arg5[%mul3A_12] : memref<1600xi32, #tpu.memory_space<vmem>> -> memref<80xi32, #tpu.memory_space<vmem>>
      %dma_start3A_19 = arith.constant 0 : i32
      %dma_start3A_20 = arith.constant 0 : i32
      %dma_start3A_21 = tpu.memref_slice %arg3[%dma_start3A_19, %dma_start3A_20] : memref<30522x768xf32, #tpu.memory_space<hbm>> -> memref<30522x768xf32, #tpu.memory_space<hbm>>
      tpu.enqueue_indirect_dma source(%dma_start3A_21 : memref<30522x768xf32, #tpu.memory_space<hbm>>) target(%dma_start3A_17 : memref<80x768xf32, #tpu.memory_space<vmem>>) offsets(%dma_start3A_18 : memref<80xi32, #tpu.memory_space<vmem>>) semaphore(%arg8 : memref<!tpu.dma_semaphore, #tpu.memory_space<semaphore_mem>>)
      %add3A_22 = arith.constant 80 : i32
      %add3A_23 = arith.addi %mul3A_12, %add3A_22 : i32
      %dma_start3A_24 = arith.constant 1 : i32
      %dma_start3A_25 = arith.constant 0 : i32
      %dma_start3A_26 = arith.constant 0 : i32
      %dma_start3A_27 = tpu.memref_slice %arg6[%dma_start3A_24, %dma_start3A_25, %dma_start3A_26] : memref<2x80x768xf32, #tpu.memory_space<vmem>> -> memref<1x80x768xf32, #tpu.memory_space<vmem>>
      %dma_start3A_28 = tpu.memref_squeeze %dma_start3A_27 : memref<1x80x768xf32, #tpu.memory_space<vmem>> -> memref<80x768xf32, #tpu.memory_space<vmem>>
      %dma_start3A_29 = tpu.memref_slice %arg5[%add3A_23] : memref<1600xi32, #tpu.memory_space<vmem>> -> memref<80xi32, #tpu.memory_space<vmem>>
      %dma_start3A_30 = arith.constant 0 : i32
      %dma_start3A_31 = arith.constant 0 : i32
      %dma_start3A_32 = tpu.memref_slice %arg3[%dma_start3A_30, %dma_start3A_31] : memref<30522x768xf32, #tpu.memory_space<hbm>> -> memref<30522x768xf32, #tpu.memory_space<hbm>>
      tpu.enqueue_indirect_dma source(%dma_start3A_32 : memref<30522x768xf32, #tpu.memory_space<hbm>>) target(%dma_start3A_28 : memref<80x768xf32, #tpu.memory_space<vmem>>) offsets(%dma_start3A_29 : memref<80xi32, #tpu.memory_space<vmem>>) semaphore(%arg9 : memref<!tpu.dma_semaphore, #tpu.memory_space<semaphore_mem>>)
      %dma_wait3A_33 = arith.constant 0 : i32
      %dma_wait3A_34 = arith.constant 0 : i32
      %dma_wait3A_35 = arith.constant 0 : i32
      %dma_wait3A_36 = tpu.memref_slice %arg6[%dma_wait3A_33, %dma_wait3A_34, %dma_wait3A_35] : memref<2x80x768xf32, #tpu.memory_space<vmem>> -> memref<1x80x768xf32, #tpu.memory_space<vmem>>
      %dma_wait3A_37 = tpu.memref_squeeze %dma_wait3A_36 : memref<1x80x768xf32, #tpu.memory_space<vmem>> -> memref<80x768xf32, #tpu.memory_space<vmem>>
      %dma_wait3A_38 = tpu.memref_slice %arg5[%mul3A_12] : memref<1600xi32, #tpu.memory_space<vmem>> -> memref<80xi32, #tpu.memory_space<vmem>>
      %dma_wait3A_39 = arith.constant 0 : i32
      %dma_wait3A_40 = arith.constant 0 : i32
      %dma_wait3A_41 = tpu.memref_slice %arg3[%dma_wait3A_39, %dma_wait3A_40] : memref<30522x768xf32, #tpu.memory_space<hbm>> -> memref<30522x768xf32, #tpu.memory_space<hbm>>
      tpu.wait_indirect_dma semaphore(%arg8 : memref<!tpu.dma_semaphore, #tpu.memory_space<semaphore_mem>>) src(%dma_wait3A_41 : memref<30522x768xf32, #tpu.memory_space<hbm>>) dst(%dma_wait3A_37 : memref<80x768xf32, #tpu.memory_space<vmem>>)
      %add3A_42 = arith.addi %mul3A_2, %mul3A_12 : i32
      %run_scoped3A = arith.constant 0 : i32
      "tpu.region"() ({
        %run_scoped3A_56 = tpu.sem_alloc : memref<!tpu.dma_semaphore, #tpu.memory_space<semaphore_mem>>
        %dma_start3A_57 = arith.constant 0 : i32
        %dma_start3A_58 = arith.constant 0 : i32
        %dma_start3A_59 = tpu.memref_slice %arg6[%run_scoped3A, %dma_start3A_57, %dma_start3A_58] : memref<2x80x768xf32, #tpu.memory_space<vmem>> -> memref<1x80x768xf32, #tpu.memory_space<vmem>>
        %dma_start3A_60 = tpu.memref_squeeze %dma_start3A_59 : memref<1x80x768xf32, #tpu.memory_space<vmem>> -> memref<80x768xf32, #tpu.memory_space<vmem>>
        %dma_start3A_61 = arith.constant 0 : i32
        %dma_start3A_62 = tpu.memref_slice %arg4[%add3A_42, %dma_start3A_61] : memref<51200x768xf32, #tpu.memory_space<hbm>> -> memref<80x768xf32, #tpu.memory_space<hbm>>
        %dma_start3A_63 = arith.constant 0 : i32
        %dma_start3A_64 = tpu.memref_slice %arg4[%add3A_42, %dma_start3A_63] : memref<51200x768xf32, #tpu.memory_space<hbm>> -> memref<80x768xf32, #tpu.memory_space<hbm>>
        %dma_start3A_65 = arith.constant 0 : i32
        %dma_start3A_66 = arith.constant 0 : i32
        %dma_start3A_67 = tpu.memref_slice %arg6[%run_scoped3A, %dma_start3A_65, %dma_start3A_66] : memref<2x80x768xf32, #tpu.memory_space<vmem>> -> memref<1x80x768xf32, #tpu.memory_space<vmem>>
        %dma_start3A_68 = tpu.memref_squeeze %dma_start3A_67 : memref<1x80x768xf32, #tpu.memory_space<vmem>> -> memref<80x768xf32, #tpu.memory_space<vmem>>
        tpu.enqueue_dma source(%dma_start3A_68 : memref<80x768xf32, #tpu.memory_space<vmem>>) target(%dma_start3A_64 : memref<80x768xf32, #tpu.memory_space<hbm>>) target_semaphore(%run_scoped3A_56 : memref<!tpu.dma_semaphore, #tpu.memory_space<semaphore_mem>>)
        %dma_wait3A_69 = arith.constant 0 : i32
        %dma_wait3A_70 = arith.constant 0 : i32
        %dma_wait3A_71 = tpu.memref_slice %arg6[%run_scoped3A, %dma_wait3A_69, %dma_wait3A_70] : memref<2x80x768xf32, #tpu.memory_space<vmem>> -> memref<1x80x768xf32, #tpu.memory_space<vmem>>
        %dma_wait3A_72 = tpu.memref_squeeze %dma_wait3A_71 : memref<1x80x768xf32, #tpu.memory_space<vmem>> -> memref<80x768xf32, #tpu.memory_space<vmem>>
        %dma_wait3A_73 = arith.constant 0 : i32
        %dma_wait3A_74 = tpu.memref_slice %arg4[%add3A_42, %dma_wait3A_73] : memref<51200x768xf32, #tpu.memory_space<hbm>> -> memref<80x768xf32, #tpu.memory_space<hbm>>
        %dma_wait3A_75 = arith.constant 0 : i32
        %dma_wait3A_76 = tpu.memref_slice %arg4[%add3A_42, %dma_wait3A_75] : memref<51200x768xf32, #tpu.memory_space<hbm>> -> memref<80x768xf32, #tpu.memory_space<hbm>>
        %dma_wait3A_77 = arith.constant 0 : i32
        %dma_wait3A_78 = arith.constant 0 : i32
        %dma_wait3A_79 = tpu.memref_slice %arg6[%run_scoped3A, %dma_wait3A_77, %dma_wait3A_78] : memref<2x80x768xf32, #tpu.memory_space<vmem>> -> memref<1x80x768xf32, #tpu.memory_space<vmem>>
        %dma_wait3A_80 = tpu.memref_squeeze %dma_wait3A_79 : memref<1x80x768xf32, #tpu.memory_space<vmem>> -> memref<80x768xf32, #tpu.memory_space<vmem>>
        tpu.wait_dma2 semaphore(%run_scoped3A_56 : memref<!tpu.dma_semaphore, #tpu.memory_space<semaphore_mem>>) src(%dma_wait3A_80 : memref<80x768xf32, #tpu.memory_space<vmem>>) dst(%dma_wait3A_76 : memref<80x768xf32, #tpu.memory_space<hbm>>)
        tpu.yield
      }) : () -> ()
      %dma_wait3A_43 = arith.constant 1 : i32
      %dma_wait3A_44 = arith.constant 0 : i32
      %dma_wait3A_45 = arith.constant 0 : i32
      %dma_wait3A_46 = tpu.memref_slice %arg6[%dma_wait3A_43, %dma_wait3A_44, %dma_wait3A_45] : memref<2x80x768xf32, #tpu.memory_space<vmem>> -> memref<1x80x768xf32, #tpu.memory_space<vmem>>
      %dma_wait3A_47 = tpu.memref_squeeze %dma_wait3A_46 : memref<1x80x768xf32, #tpu.memory_space<vmem>> -> memref<80x768xf32, #tpu.memory_space<vmem>>
      %dma_wait3A_48 = tpu.memref_slice %arg5[%add3A_23] : memref<1600xi32, #tpu.memory_space<vmem>> -> memref<80xi32, #tpu.memory_space<vmem>>
      %dma_wait3A_49 = arith.constant 0 : i32
      %dma_wait3A_50 = arith.constant 0 : i32
      %dma_wait3A_51 = tpu.memref_slice %arg3[%dma_wait3A_49, %dma_wait3A_50] : memref<30522x768xf32, #tpu.memory_space<hbm>> -> memref<30522x768xf32, #tpu.memory_space<hbm>>
      tpu.wait_indirect_dma semaphore(%arg9 : memref<!tpu.dma_semaphore, #tpu.memory_space<semaphore_mem>>) src(%dma_wait3A_51 : memref<30522x768xf32, #tpu.memory_space<hbm>>) dst(%dma_wait3A_47 : memref<80x768xf32, #tpu.memory_space<vmem>>)
      %add3A_52 = arith.addi %mul3A_2, %mul3A_12 : i32
      %add3A_53 = arith.constant 80 : i32
      %add3A_54 = arith.addi %add3A_52, %add3A_53 : i32
      %run_scoped3A_55 = arith.constant 1 : i32
      "tpu.region"() ({
        %run_scoped3A_56 = tpu.sem_alloc : memref<!tpu.dma_semaphore, #tpu.memory_space<semaphore_mem>>
        %dma_start3A_57 = arith.constant 0 : i32
        %dma_start3A_58 = arith.constant 0 : i32
        %dma_start3A_59 = tpu.memref_slice %arg6[%run_scoped3A_55, %dma_start3A_57, %dma_start3A_58] : memref<2x80x768xf32, #tpu.memory_space<vmem>> -> memref<1x80x768xf32, #tpu.memory_space<vmem>>
        %dma_start3A_60 = tpu.memref_squeeze %dma_start3A_59 : memref<1x80x768xf32, #tpu.memory_space<vmem>> -> memref<80x768xf32, #tpu.memory_space<vmem>>
        %dma_start3A_61 = arith.constant 0 : i32
        %dma_start3A_62 = tpu.memref_slice %arg4[%add3A_54, %dma_start3A_61] : memref<51200x768xf32, #tpu.memory_space<hbm>> -> memref<80x768xf32, #tpu.memory_space<hbm>>
        %dma_start3A_63 = arith.constant 0 : i32
        %dma_start3A_64 = tpu.memref_slice %arg4[%add3A_54, %dma_start3A_63] : memref<51200x768xf32, #tpu.memory_space<hbm>> -> memref<80x768xf32, #tpu.memory_space<hbm>>
        %dma_start3A_65 = arith.constant 0 : i32
        %dma_start3A_66 = arith.constant 0 : i32
        %dma_start3A_67 = tpu.memref_slice %arg6[%run_scoped3A_55, %dma_start3A_65, %dma_start3A_66] : memref<2x80x768xf32, #tpu.memory_space<vmem>> -> memref<1x80x768xf32, #tpu.memory_space<vmem>>
        %dma_start3A_68 = tpu.memref_squeeze %dma_start3A_67 : memref<1x80x768xf32, #tpu.memory_space<vmem>> -> memref<80x768xf32, #tpu.memory_space<vmem>>
        tpu.enqueue_dma source(%dma_start3A_68 : memref<80x768xf32, #tpu.memory_space<vmem>>) target(%dma_start3A_64 : memref<80x768xf32, #tpu.memory_space<hbm>>) target_semaphore(%run_scoped3A_56 : memref<!tpu.dma_semaphore, #tpu.memory_space<semaphore_mem>>)
        %dma_wait3A_69 = arith.constant 0 : i32
        %dma_wait3A_70 = arith.constant 0 : i32
        %dma_wait3A_71 = tpu.memref_slice %arg6[%run_scoped3A_55, %dma_wait3A_69, %dma_wait3A_70] : memref<2x80x768xf32, #tpu.memory_space<vmem>> -> memref<1x80x768xf32, #tpu.memory_space<vmem>>
        %dma_wait3A_72 = tpu.memref_squeeze %dma_wait3A_71 : memref<1x80x768xf32, #tpu.memory_space<vmem>> -> memref<80x768xf32, #tpu.memory_space<vmem>>
        %dma_wait3A_73 = arith.constant 0 : i32
        %dma_wait3A_74 = tpu.memref_slice %arg4[%add3A_54, %dma_wait3A_73] : memref<51200x768xf32, #tpu.memory_space<hbm>> -> memref<80x768xf32, #tpu.memory_space<hbm>>
        %dma_wait3A_75 = arith.constant 0 : i32
        %dma_wait3A_76 = tpu.memref_slice %arg4[%add3A_54, %dma_wait3A_75] : memref<51200x768xf32, #tpu.memory_space<hbm>> -> memref<80x768xf32, #tpu.memory_space<hbm>>
        %dma_wait3A_77 = arith.constant 0 : i32
        %dma_wait3A_78 = arith.constant 0 : i32
        %dma_wait3A_79 = tpu.memref_slice %arg6[%run_scoped3A_55, %dma_wait3A_77, %dma_wait3A_78] : memref<2x80x768xf32, #tpu.memory_space<vmem>> -> memref<1x80x768xf32, #tpu.memory_space<vmem>>
        %dma_wait3A_80 = tpu.memref_squeeze %dma_wait3A_79 : memref<1x80x768xf32, #tpu.memory_space<vmem>> -> memref<80x768xf32, #tpu.memory_space<vmem>>
        tpu.wait_dma2 semaphore(%run_scoped3A_56 : memref<!tpu.dma_semaphore, #tpu.memory_space<semaphore_mem>>) src(%dma_wait3A_80 : memref<80x768xf32, #tpu.memory_space<vmem>>) dst(%dma_wait3A_76 : memref<80x768xf32, #tpu.memory_space<hbm>>)
        tpu.yield
      }) : () -> ()
    }
    %scan3A_9 = arith.constant 10 : i32
    return
  }
}

module attributes {stable_mosaic.version = 14 : i64} {
  func.func @body(%arg0: i32, %arg1: i32, %arg2: memref<1x1024x2048xf32, #tpu.memory_space<vmem>>, %arg3: memref<5x1024xf32, #tpu.memory_space<vmem>>, %arg4: memref<2048x768xf32, #tpu.memory_space<vmem>>, %arg5: memref<5x768xf32, #tpu.memory_space<vmem>>, %arg6: memref<9x768xf32, #tpu.memory_space<vmem>>, %arg7: memref<1x1024x768xf32, #tpu.memory_space<vmem>>) attributes {dimension_semantics = [#tpu.dimension_semantics<arbitrary>, #tpu.dimension_semantics<arbitrary>], iteration_bounds = array<i64: 36, 1>, scalar_prefetch = 0 : i64, scratch_operands = 0 : i64, tpu.core_type = #tpu.core_type<tc>, window_params = [{transform_indices = @transform_0, window_bounds = array<i64: 1, 1024, 2048>}, {transform_indices = @transform_1, window_bounds = array<i64: 5, 1024>}, {pipeline_mode = #tpu.pipeline_mode<synchronous>, transform_indices = @transform_2, window_bounds = array<i64: 2048, 768>}, {pipeline_mode = #tpu.pipeline_mode<synchronous>, transform_indices = @transform_3, window_bounds = array<i64: 5, 768>}, {pipeline_mode = #tpu.pipeline_mode<synchronous>, transform_indices = @transform_4, window_bounds = array<i64: 9, 768>}, {transform_indices = @transform_5, window_bounds = array<i64: 1, 1024, 768>}]} {
    %get3A = arith.constant 0 : index
    %get3A_0 = arith.constant 0 : index
    %get3A_1 = arith.constant 0 : index
    %get3A_2 = vector.load %arg2[%get3A, %get3A_0, %get3A_1] : memref<1x1024x2048xf32, #tpu.memory_space<vmem>>, vector<1x1024x2048xf32>
    %reshape3A = vector.shape_cast %get3A_2 : vector<1x1024x2048xf32> to vector<1024x2048xf32>
    %get3A_3 = arith.constant 0 : index
    %get3A_4 = arith.constant 0 : index
    %get3A_5 = vector.load %arg4[%get3A_3, %get3A_4] : memref<2048x768xf32, #tpu.memory_space<vmem>>, vector<2048x768xf32>
    %dot_general3A = arith.constant dense<0.000000e+00> : vector<1024x768xf32>
    %dot_general3A_6 = tpu.matmul %reshape3A, %get3A_5, %dot_general3A {dimension_numbers = #tpu.dot_dimension_numbers<[1], [0], [0], [1], [0, 0, 1, 1], [], []>, transpose_lhs_hint = false} : vector<1024x2048xf32>, vector<2048x768xf32>, vector<1024x768xf32> -> vector<1024x768xf32>
    %get3A_7 = arith.constant 0 : index
    %get3A_8 = arith.constant 0 : index
    %get3A_9 = vector.load %arg6[%get3A_7, %get3A_8] : memref<9x768xf32, #tpu.memory_space<vmem>>, vector<1x768xf32>
    %add3A = vector.broadcast %get3A_9 : vector<1x768xf32> to vector<1024x768xf32>
    %add3A_10 = arith.addf %dot_general3A_6, %add3A : vector<1024x768xf32>
    %get3A_11 = arith.constant 1 : index
    %get3A_12 = arith.constant 0 : index
    %get3A_13 = vector.load %arg6[%get3A_11, %get3A_12] : memref<9x768xf32, #tpu.memory_space<vmem>>, vector<1x768xf32>
    %get3A_14 = arith.constant 2 : index
    %get3A_15 = arith.constant 0 : index
    %get3A_16 = vector.load %arg6[%get3A_14, %get3A_15] : memref<9x768xf32, #tpu.memory_space<vmem>>, vector<1x768xf32>
    %reduce_sum3A = arith.constant dense<0.000000e+00> : vector<1024xf32>
    %reduce_sum3A_17 = vector.multi_reduction <add>, %add3A_10, %reduce_sum3A [1] : vector<1024x768xf32> to vector<1024xf32>
    %broadcast_in_dim3A = vector.shape_cast %reduce_sum3A_17 : vector<1024xf32> to vector<1024x1xf32>
    %div3A = arith.constant 7.680000e+02 : f32
    %div3A_18 = vector.broadcast %div3A : f32 to vector<1024x1xf32>
    %div3A_19 = arith.divf %broadcast_in_dim3A, %div3A_18 : vector<1024x1xf32>
    %sub3A = vector.broadcast %div3A_19 : vector<1024x1xf32> to vector<1024x768xf32>
    %sub3A_20 = arith.subf %add3A_10, %sub3A : vector<1024x768xf32>
    %mul3A = arith.mulf %sub3A_20, %sub3A_20 : vector<1024x768xf32>
    %reduce_sum3A_21 = arith.constant dense<0.000000e+00> : vector<1024xf32>
    %reduce_sum3A_22 = vector.multi_reduction <add>, %mul3A, %reduce_sum3A_21 [1] : vector<1024x768xf32> to vector<1024xf32>
    %broadcast_in_dim3A_23 = vector.shape_cast %reduce_sum3A_22 : vector<1024xf32> to vector<1024x1xf32>
    %div3A_24 = arith.constant 7.680000e+02 : f32
    %div3A_25 = vector.broadcast %div3A_24 : f32 to vector<1024x1xf32>
    %div3A_26 = arith.divf %broadcast_in_dim3A_23, %div3A_25 : vector<1024x1xf32>
    %add3A_27 = arith.constant 9.99999996E-13 : f32
    %add3A_28 = vector.broadcast %add3A_27 : f32 to vector<1024x1xf32>
    %add3A_29 = arith.addf %div3A_26, %add3A_28 : vector<1024x1xf32>
    %rsqrt3A = math.rsqrt %add3A_29 : vector<1024x1xf32>
    %mul3A_30 = vector.broadcast %rsqrt3A : vector<1024x1xf32> to vector<1024x768xf32>
    %mul3A_31 = arith.mulf %sub3A_20, %mul3A_30 : vector<1024x768xf32>
    %mul3A_32 = vector.broadcast %get3A_13 : vector<1x768xf32> to vector<1024x768xf32>
    %mul3A_33 = arith.mulf %mul3A_31, %mul3A_32 : vector<1024x768xf32>
    %add3A_34 = vector.broadcast %get3A_16 : vector<1x768xf32> to vector<1024x768xf32>
    %add3A_35 = arith.addf %mul3A_33, %add3A_34 : vector<1024x768xf32>
    %get3A_36 = arith.constant 0 : index
    %get3A_37 = arith.constant 0 : index
    %get3A_38 = vector.load %arg3[%get3A_36, %get3A_37] : memref<5x1024xf32, #tpu.memory_space<vmem>>, vector<5x1024xf32>
    %get3A_39 = arith.constant 0 : index
    %get3A_40 = arith.constant 0 : index
    %get3A_41 = vector.load %arg5[%get3A_39, %get3A_40] : memref<5x768xf32, #tpu.memory_space<vmem>>, vector<5x768xf32>
    %dot_general3A_42 = arith.constant dense<0.000000e+00> : vector<1024x768xf32>
    %dot_general3A_43 = tpu.matmul %get3A_38, %get3A_41, %dot_general3A_42 {dimension_numbers = #tpu.dot_dimension_numbers<[0], [0], [1], [1], [0, 1, 1, 1], [], []>, transpose_lhs_hint = false} : vector<5x1024xf32>, vector<5x768xf32>, vector<1024x768xf32> -> vector<1024x768xf32>
    %get3A_44 = arith.constant 3 : index
    %get3A_45 = arith.constant 0 : index
    %get3A_46 = vector.load %arg6[%get3A_44, %get3A_45] : memref<9x768xf32, #tpu.memory_space<vmem>>, vector<1x768xf32>
    %add3A_47 = vector.broadcast %get3A_46 : vector<1x768xf32> to vector<1024x768xf32>
    %add3A_48 = arith.addf %dot_general3A_43, %add3A_47 : vector<1024x768xf32>
    %get3A_49 = arith.constant 4 : index
    %get3A_50 = arith.constant 0 : index
    %get3A_51 = vector.load %arg6[%get3A_49, %get3A_50] : memref<9x768xf32, #tpu.memory_space<vmem>>, vector<1x768xf32>
    %get3A_52 = arith.constant 5 : index
    %get3A_53 = arith.constant 0 : index
    %get3A_54 = vector.load %arg6[%get3A_52, %get3A_53] : memref<9x768xf32, #tpu.memory_space<vmem>>, vector<1x768xf32>
    %reduce_sum3A_55 = arith.constant dense<0.000000e+00> : vector<1024xf32>
    %reduce_sum3A_56 = vector.multi_reduction <add>, %add3A_48, %reduce_sum3A_55 [1] : vector<1024x768xf32> to vector<1024xf32>
    %broadcast_in_dim3A_57 = vector.shape_cast %reduce_sum3A_56 : vector<1024xf32> to vector<1024x1xf32>
    %div3A_58 = arith.constant 7.680000e+02 : f32
    %div3A_59 = vector.broadcast %div3A_58 : f32 to vector<1024x1xf32>
    %div3A_60 = arith.divf %broadcast_in_dim3A_57, %div3A_59 : vector<1024x1xf32>
    %sub3A_61 = vector.broadcast %div3A_60 : vector<1024x1xf32> to vector<1024x768xf32>
    %sub3A_62 = arith.subf %add3A_48, %sub3A_61 : vector<1024x768xf32>
    %mul3A_63 = arith.mulf %sub3A_62, %sub3A_62 : vector<1024x768xf32>
    %reduce_sum3A_64 = arith.constant dense<0.000000e+00> : vector<1024xf32>
    %reduce_sum3A_65 = vector.multi_reduction <add>, %mul3A_63, %reduce_sum3A_64 [1] : vector<1024x768xf32> to vector<1024xf32>
    %broadcast_in_dim3A_66 = vector.shape_cast %reduce_sum3A_65 : vector<1024xf32> to vector<1024x1xf32>
    %div3A_67 = arith.constant 7.680000e+02 : f32
    %div3A_68 = vector.broadcast %div3A_67 : f32 to vector<1024x1xf32>
    %div3A_69 = arith.divf %broadcast_in_dim3A_66, %div3A_68 : vector<1024x1xf32>
    %add3A_70 = arith.constant 9.99999996E-13 : f32
    %add3A_71 = vector.broadcast %add3A_70 : f32 to vector<1024x1xf32>
    %add3A_72 = arith.addf %div3A_69, %add3A_71 : vector<1024x1xf32>
    %rsqrt3A_73 = math.rsqrt %add3A_72 : vector<1024x1xf32>
    %mul3A_74 = vector.broadcast %rsqrt3A_73 : vector<1024x1xf32> to vector<1024x768xf32>
    %mul3A_75 = arith.mulf %sub3A_62, %mul3A_74 : vector<1024x768xf32>
    %mul3A_76 = vector.broadcast %get3A_51 : vector<1x768xf32> to vector<1024x768xf32>
    %mul3A_77 = arith.mulf %mul3A_75, %mul3A_76 : vector<1024x768xf32>
    %add3A_78 = vector.broadcast %get3A_54 : vector<1x768xf32> to vector<1024x768xf32>
    %add3A_79 = arith.addf %mul3A_77, %add3A_78 : vector<1024x768xf32>
    %add3A_80 = arith.addf %add3A_35, %add3A_79 : vector<1024x768xf32>
    %get3A_81 = arith.constant 8 : index
    %get3A_82 = arith.constant 0 : index
    %get3A_83 = vector.load %arg6[%get3A_81, %get3A_82] : memref<9x768xf32, #tpu.memory_space<vmem>>, vector<1x768xf32>
    %add3A_84 = vector.broadcast %get3A_83 : vector<1x768xf32> to vector<1024x768xf32>
    %add3A_85 = arith.addf %add3A_80, %add3A_84 : vector<1024x768xf32>
    %get3A_86 = arith.constant 6 : index
    %get3A_87 = arith.constant 0 : index
    %get3A_88 = vector.load %arg6[%get3A_86, %get3A_87] : memref<9x768xf32, #tpu.memory_space<vmem>>, vector<1x768xf32>
    %get3A_89 = arith.constant 7 : index
    %get3A_90 = arith.constant 0 : index
    %get3A_91 = vector.load %arg6[%get3A_89, %get3A_90] : memref<9x768xf32, #tpu.memory_space<vmem>>, vector<1x768xf32>
    %reduce_sum3A_92 = arith.constant dense<0.000000e+00> : vector<1024xf32>
    %reduce_sum3A_93 = vector.multi_reduction <add>, %add3A_85, %reduce_sum3A_92 [1] : vector<1024x768xf32> to vector<1024xf32>
    %broadcast_in_dim3A_94 = vector.shape_cast %reduce_sum3A_93 : vector<1024xf32> to vector<1024x1xf32>
    %div3A_95 = arith.constant 7.680000e+02 : f32
    %div3A_96 = vector.broadcast %div3A_95 : f32 to vector<1024x1xf32>
    %div3A_97 = arith.divf %broadcast_in_dim3A_94, %div3A_96 : vector<1024x1xf32>
    %sub3A_98 = vector.broadcast %div3A_97 : vector<1024x1xf32> to vector<1024x768xf32>
    %sub3A_99 = arith.subf %add3A_85, %sub3A_98 : vector<1024x768xf32>
    %mul3A_100 = arith.mulf %sub3A_99, %sub3A_99 : vector<1024x768xf32>
    %reduce_sum3A_101 = arith.constant dense<0.000000e+00> : vector<1024xf32>
    %reduce_sum3A_102 = vector.multi_reduction <add>, %mul3A_100, %reduce_sum3A_101 [1] : vector<1024x768xf32> to vector<1024xf32>
    %broadcast_in_dim3A_103 = vector.shape_cast %reduce_sum3A_102 : vector<1024xf32> to vector<1024x1xf32>
    %div3A_104 = arith.constant 7.680000e+02 : f32
    %div3A_105 = vector.broadcast %div3A_104 : f32 to vector<1024x1xf32>
    %div3A_106 = arith.divf %broadcast_in_dim3A_103, %div3A_105 : vector<1024x1xf32>
    %add3A_107 = arith.constant 9.99999996E-13 : f32
    %add3A_108 = vector.broadcast %add3A_107 : f32 to vector<1024x1xf32>
    %add3A_109 = arith.addf %div3A_106, %add3A_108 : vector<1024x1xf32>
    %rsqrt3A_110 = math.rsqrt %add3A_109 : vector<1024x1xf32>
    %mul3A_111 = vector.broadcast %rsqrt3A_110 : vector<1024x1xf32> to vector<1024x768xf32>
    %mul3A_112 = arith.mulf %sub3A_99, %mul3A_111 : vector<1024x768xf32>
    %mul3A_113 = vector.broadcast %get3A_88 : vector<1x768xf32> to vector<1024x768xf32>
    %mul3A_114 = arith.mulf %mul3A_112, %mul3A_113 : vector<1024x768xf32>
    %add3A_115 = vector.broadcast %get3A_91 : vector<1x768xf32> to vector<1024x768xf32>
    %add3A_116 = arith.addf %mul3A_114, %add3A_115 : vector<1024x768xf32>
    %reshape3A_117 = vector.shape_cast %add3A_116 : vector<1024x768xf32> to vector<1x1024x768xf32>
    %swap3A = arith.constant 0 : index
    %swap3A_118 = arith.constant 0 : index
    %swap3A_119 = arith.constant 0 : index
    %swap3A_120 = vector.load %arg7[%swap3A, %swap3A_118, %swap3A_119] : memref<1x1024x768xf32, #tpu.memory_space<vmem>>, vector<1x1024x768xf32>
    tpu.vector_store %arg7[%swap3A, %swap3A_118, %swap3A_119], %reshape3A_117 {strides = array<i32>} : memref<1x1024x768xf32, #tpu.memory_space<vmem>>, vector<1x1024x768xf32>,
    return
  }
  func.func @transform_0(%arg0: i32, %arg1: i32) -> (i32, i32, i32) {
    %c0_i32 = arith.constant 0 : i32
    %c0_i32_0 = arith.constant 0 : i32
    return %arg0, %arg1, %c0_i32 : i32, i32, i32
  }
  func.func @transform_1(%arg0: i32, %arg1: i32) -> (i32, i32) {
    %mul3A = arith.constant 1 : i32
    %mul3A_0 = arith.muli %arg0, %mul3A : i32
    %add3A = arith.addi %mul3A_0, %arg1 : i32
    %c0_i32 = arith.constant 0 : i32
    %c0_i32_1 = arith.constant 0 : i32
    return %c0_i32, %add3A : i32, i32
  }
  func.func @transform_2(%arg0: i32, %arg1: i32) -> (i32, i32) {
    %c0_i32 = arith.constant 0 : i32
    %c0_i32_0 = arith.constant 0 : i32
    %c0_i32_1 = arith.constant 0 : i32
    return %c0_i32, %c0_i32_0 : i32, i32
  }
  func.func @transform_3(%arg0: i32, %arg1: i32) -> (i32, i32) {
    %c0_i32 = arith.constant 0 : i32
    %c0_i32_0 = arith.constant 0 : i32
    %c0_i32_1 = arith.constant 0 : i32
    return %c0_i32, %c0_i32_0 : i32, i32
  }
  func.func @transform_4(%arg0: i32, %arg1: i32) -> (i32, i32) {
    %c0_i32 = arith.constant 0 : i32
    %c0_i32_0 = arith.constant 0 : i32
    %c0_i32_1 = arith.constant 0 : i32
    return %c0_i32, %c0_i32_0 : i32, i32
  }
  func.func @transform_5(%arg0: i32, %arg1: i32) -> (i32, i32, i32) {
    %c0_i32 = arith.constant 0 : i32
    %c0_i32_0 = arith.constant 0 : i32
    return %arg0, %arg1, %c0_i32 : i32, i32, i32
  }
}

module attributes {stable_mosaic.version = 14 : i64} {
  func.func @body(%arg0: i32, %arg1: memref<2048x768xf32, #tpu.memory_space<vmem>>, %arg2: memref<2x1x768xf32, #tpu.memory_space<vmem>>, %arg3: memref<2x768xf32, #tpu.memory_space<vmem>>, %arg4: memref<2x1024x768xf32, #tpu.memory_space<vmem>>) attributes {dimension_semantics = [#tpu.dimension_semantics<arbitrary>], iteration_bounds = array<i64: 25>, scalar_prefetch = 0 : i64, scratch_operands = 0 : i64, tpu.core_type = #tpu.core_type<tc>, window_params = [{transform_indices = @transform_0, window_bounds = array<i64: 2048, 768>}, {transform_indices = @transform_1, window_bounds = array<i64: 2, 1, 768>}, {pipeline_mode = #tpu.pipeline_mode<synchronous>, transform_indices = @transform_2, window_bounds = array<i64: 2, 768>}, {transform_indices = @transform_3, window_bounds = array<i64: 2, 1024, 768>}]} {
    %get3A = arith.constant 0 : index
    %get3A_0 = arith.constant 0 : index
    %get3A_1 = vector.load %arg1[%get3A, %get3A_0] : memref<2048x768xf32, #tpu.memory_space<vmem>>, vector<2048x768xf32>
    %reshape3A = vector.shape_cast %get3A_1 : vector<2048x768xf32> to vector<2x1024x768xf32>
    %get3A_2 = arith.constant 0 : index
    %get3A_3 = arith.constant 0 : index
    %get3A_4 = arith.constant 0 : index
    %get3A_5 = vector.load %arg2[%get3A_2, %get3A_3, %get3A_4] : memref<2x1x768xf32, #tpu.memory_space<vmem>>, vector<2x1x768xf32>
    %add3A = vector.broadcast %get3A_5 : vector<2x1x768xf32> to vector<2x1024x768xf32>
    %add3A_6 = arith.addf %reshape3A, %add3A : vector<2x1024x768xf32>
    %get3A_7 = arith.constant 0 : index
    %get3A_8 = arith.constant 0 : index
    %get3A_9 = vector.load %arg3[%get3A_7, %get3A_8] : memref<2x768xf32, #tpu.memory_space<vmem>>, vector<1x768xf32>
    %get3A_10 = arith.constant 1 : index
    %get3A_11 = arith.constant 0 : index
    %get3A_12 = vector.load %arg3[%get3A_10, %get3A_11] : memref<2x768xf32, #tpu.memory_space<vmem>>, vector<1x768xf32>
    %reduce_sum3A = arith.constant dense<0.000000e+00> : vector<2x1024xf32>
    %reduce_sum3A_13 = vector.multi_reduction <add>, %add3A_6, %reduce_sum3A [2] : vector<2x1024x768xf32> to vector<2x1024xf32>
    %broadcast_in_dim3A = vector.shape_cast %reduce_sum3A_13 : vector<2x1024xf32> to vector<2x1024x1xf32>
    %div3A = arith.constant 7.680000e+02 : f32
    %div3A_14 = vector.broadcast %div3A : f32 to vector<2x1024x1xf32>
    %div3A_15 = arith.divf %broadcast_in_dim3A, %div3A_14 : vector<2x1024x1xf32>
    %sub3A = vector.broadcast %div3A_15 : vector<2x1024x1xf32> to vector<2x1024x768xf32>
    %sub3A_16 = arith.subf %add3A_6, %sub3A : vector<2x1024x768xf32>
    %mul3A = arith.mulf %sub3A_16, %sub3A_16 : vector<2x1024x768xf32>
    %reduce_sum3A_17 = arith.constant dense<0.000000e+00> : vector<2x1024xf32>
    %reduce_sum3A_18 = vector.multi_reduction <add>, %mul3A, %reduce_sum3A_17 [2] : vector<2x1024x768xf32> to vector<2x1024xf32>
    %broadcast_in_dim3A_19 = vector.shape_cast %reduce_sum3A_18 : vector<2x1024xf32> to vector<2x1024x1xf32>
    %div3A_20 = arith.constant 7.680000e+02 : f32
    %div3A_21 = vector.broadcast %div3A_20 : f32 to vector<2x1024x1xf32>
    %div3A_22 = arith.divf %broadcast_in_dim3A_19, %div3A_21 : vector<2x1024x1xf32>
    %add3A_23 = arith.constant 9.99999996E-13 : f32
    %add3A_24 = vector.broadcast %add3A_23 : f32 to vector<2x1024x1xf32>
    %add3A_25 = arith.addf %div3A_22, %add3A_24 : vector<2x1024x1xf32>
    %rsqrt3A = math.rsqrt %add3A_25 : vector<2x1024x1xf32>
    %mul3A_26 = vector.broadcast %rsqrt3A : vector<2x1024x1xf32> to vector<2x1024x768xf32>
    %mul3A_27 = arith.mulf %sub3A_16, %mul3A_26 : vector<2x1024x768xf32>
    %broadcast_in_dim3A_28 = vector.shape_cast %get3A_9 : vector<1x768xf32> to vector<1x1x768xf32>
    %mul3A_29 = vector.broadcast %broadcast_in_dim3A_28 : vector<1x1x768xf32> to vector<2x1024x768xf32>
    %mul3A_30 = arith.mulf %mul3A_27, %mul3A_29 : vector<2x1024x768xf32>
    %broadcast_in_dim3A_31 = vector.shape_cast %get3A_12 : vector<1x768xf32> to vector<1x1x768xf32>
    %add3A_32 = vector.broadcast %broadcast_in_dim3A_31 : vector<1x1x768xf32> to vector<2x1024x768xf32>
    %add3A_33 = arith.addf %mul3A_30, %add3A_32 : vector<2x1024x768xf32>
    %swap3A = arith.constant 0 : index
    %swap3A_34 = arith.constant 0 : index
    %swap3A_35 = arith.constant 0 : index
    %swap3A_36 = vector.load %arg4[%swap3A, %swap3A_34, %swap3A_35] : memref<2x1024x768xf32, #tpu.memory_space<vmem>>, vector<2x1024x768xf32>
    tpu.vector_store %arg4[%swap3A, %swap3A_34, %swap3A_35], %add3A_33 {strides = array<i32>} : memref<2x1024x768xf32, #tpu.memory_space<vmem>>, vector<2x1024x768xf32>,
    return
  }
  func.func @transform_0(%arg0: i32) -> (i32, i32) {
    %c0_i32 = arith.constant 0 : i32
    %c0_i32_0 = arith.constant 0 : i32
    return %arg0, %c0_i32 : i32, i32
  }
  func.func @transform_1(%arg0: i32) -> (i32, i32, i32) {
    %c0_i32 = arith.constant 0 : i32
    %c0_i32_0 = arith.constant 0 : i32
    %c0_i32_1 = arith.constant 0 : i32
    return %arg0, %c0_i32, %c0_i32_0 : i32, i32, i32
  }
  func.func @transform_2(%arg0: i32) -> (i32, i32) {
    %c0_i32 = arith.constant 0 : i32
    %c0_i32_0 = arith.constant 0 : i32
    %c0_i32_1 = arith.constant 0 : i32
    return %c0_i32, %c0_i32_0 : i32, i32
  }
  func.func @transform_3(%arg0: i32) -> (i32, i32, i32) {
    %c0_i32 = arith.constant 0 : i32
    %c0_i32_0 = arith.constant 0 : i32
    %c0_i32_1 = arith.constant 0 : i32
    return %arg0, %c0_i32, %c0_i32_0 : i32, i32, i32
  }
}

</mosaic_0001>

<sc_bundles>
// kernel: kernel.5.cloned.1.call-start
scs
__scs_entry_jumppad:
0x0: {  	(pc) =	sbr.rel $0x88, $3  }
0x1: {  	(tag) =	ssettag $0x0;
	lr =	simm.s32 $0x1  }
0x2: {  	[smem:$0x3F8F] =	sst lr;
	_ =	strace $0xD0000000  }
0x3: {  	_ = 	snop  }
0x4: {  	_ = 	snop  }
0x5: {  	_ = 	snop  }
0x6: {  	_ = 	snop  }
0x7: {  	_ = 	snop  }
__scs_overlays_trampoline_lowered:
0x8: {  	[smem:$0x3F9E] =	sst s0  }
0x9: {  	[smem:$0x3F9F] =	sst s1  }
0xa: {  	[smem:$0x3FA0] =	sst s2  }
0xb: {  	[smem:$0x3FA1] =	sst s3  }
0xc: {  	[smem:$0x3FA2] =	sst s4  }
0xd: {  	[smem:$0x3FA3] =	sst s5  }
0xe: {  	[smem:$0x3FA4] =	sst s6  }
0xf: {  	[smem:$0x3FA5] =	sst s7  }
0x10: {  	[smem:$0x3FA6] =	sst s8  }
0x11: {  	[smem:$0x3FA7] =	sst s9;
	s0 =	simm.s32 @!p0 $0x0  }
0x12: {  	s1 =	sld [smem:$0x3F8D];
	s0 =	simm.s32 @p0 $0x1  }
0x13: {  	[smem:$0x3FA8] =	sst s0;
	s0 =	simm.s32 @!p1 $0x0  }
0x14: {  	s2 =	sld [smem:$0x3F8C];
	s0 =	simm.s32 @p1 $0x1  }
0x15: {  	[smem:$0x3FA9] =	sst s0;
	s0 =	simm.s32 @!p2 $0x0  }
0x16: {  	s3 =	sld [smem:$0x3FDB];
	s0 =	simm.s32 @p2 $0x1  }
0x17: {  	s4 =	simm.s32 $0x1BF5;
	[smem:$0x3FAB] =	sst s0  }
0x18: {  	s0 =	sld [smem:$0x3F8E];
	_ =	swait.ge [sflag:s4], $0x0  }
0x19: {  	s7 =	sld [smem:$0x3F8F]  }
0x1a: {  	s8 =	sadd.s32 $0xFFFFE003, lr  }
0x1b: {  	s9 =	sadd.s32 $0xFFFFFEF7, lr;
	s5 =	simm.s32 $0xFFFFFFFF;
	p2 =	slt.u32 s8, $0xFFFFF086  }
0x1c: {  	p1 =	slt.u32 s9, $0xF7A;
	s5 =	simm.s32 @!p2 $0x0  }
0x1d: {  	s5 =	simm.s32 @p1 $0x1;
	p0 =	seq.s32 s7, s2  }
0x1e: {  	s7 =	smul.u32 @!p0 $0xF7A, s2;
	p2 =	seq.s32 @!p0 s5, $0x0  }
0x1f: {  	s9 =	smul.u32 $0xF7A, s1;
	s8 =	simm.s32 @!p0 $0x1BF5;
	p2 =	por !p2, p0  }
0x20: {  	[sflag:s8] =	ssyncset.s32 @!p0 $0xFFFFF086;
	s6 =	sadd.s32 @!p0 s3, s7;
	s7 =	simm.s32 @!p0 $0x108  }
0x21: {  	s3 =	sadd.s32 s3, s9;
	s6 =	sadd.s32 @!p0 $0x88, s6;
	s7 =	simm.s32 @p2 $0x1082  }
0x22: {  	[simem:s7], [sflag:s8] =	dma.local @!p0 [hbm:s6], $0xF7A  }
0x23: {  	s9 =	sor.u32 $0xD0000000, s2;
	s6 =	simm.s32 $0x108;
	_ =	swait.ge @!p0 [sflag:s8], $0x0  }
0x24: {  	s3 =	sadd.s32 $0x88, s3;
	s6 =	simm.s32 @!p1 $0x1082;
	[sflag:s4] =	ssyncset.s32 $0xFFFFF086  }
0x25: {  	[simem:s6], [sflag:s4] =	dma.local [hbm:s3], $0xF7A  }
0x26: {  	[smem:$0x3F8F] =	sst s1;
	(tag) =	ssettag s2;
	_ =	strace s9  }
0x27: {  	s1 =	sld [smem:$0x3F9F]  }
0x28: {  	s2 =	sld [smem:$0x3FA0]  }
0x29: {  	s4 =	sld [smem:$0x3FA2]  }
0x2a: {  	p0 =	seq.s32 s5, $0x0;
	s5 =	sld [smem:$0x3FA3]  }
0x2b: {  	s6 =	sld [smem:$0x3FA4]  }
0x2c: {  	s7 =	sld [smem:$0x3FA5]  }
0x2d: {  	s3 =	simm.s32 $0x108;
	s8 =	sld [smem:$0x3FA6]  }
0x2e: {  	s3 =	simm.s32 @!p0 $0x1082;
	s9 =	sld [smem:$0x3FA7]  }
0x2f: {  	lr =	sadd.s32 s0, s3;
	s0 =	sld [smem:$0x3F9E]  }
0x30: {  	s3 =	sld [smem:$0x3FA1]  }
0x31: {  	[smem:$0x3FAA] =	sst s10  }
0x32: {  	s10 =	sld [smem:$0x3FA8];
	_ =	sdelay $0x3  }
0x33: {  	p0 =	seq.s32 s10, $0x1;
	s10 =	sld [smem:$0x3FAA];
	_ =	sdelay $0x3  }
0x34: {  	[smem:$0x3FAA] =	sst s10  }
0x35: {  	s10 =	sld [smem:$0x3FA9];
	_ =	sdelay $0x3  }
0x36: {  	p1 =	seq.s32 s10, $0x1;
	s10 =	sld [smem:$0x3FAA];
	_ =	sdelay $0x3  }
0x37: {  	[smem:$0x3FAA] =	sst s10  }
0x38: {  	s10 =	sld [smem:$0x3FAB]  }
0x39: {  	_ = 	snop;
	(pc) =	sbr.ind lr, $3  }
0x3a: {  	_ = 	snop  }
0x3b: {  	_ = 	snop  }
0x3c: {  	p2 =	seq.s32 s10, $0x1;
	s10 =	sld [smem:$0x3FAA]  }
0x3d: {  	_ =	shalt  }
0x3e: {  	_ =	shalt  }
0x3f: {  	_ =	shalt  }
0x40: {  	_ =	shalt  }
0x41: {  	_ =	shalt  }
0x42: {  	_ =	shalt  }
0x43: {  	_ =	shalt  }
0x44: {  	_ =	shalt  }
0x45: {  	_ =	shalt  }
0x46: {  	_ =	shalt  }
0x47: {  	_ =	shalt  }
0x48: {  	_ =	shalt  }
0x49: {  	_ =	shalt  }
0x4a: {  	_ =	shalt  }
0x4b: {  	_ =	shalt  }
0x4c: {  	_ =	shalt  }
0x4d: {  	_ =	shalt  }
0x4e: {  	_ =	shalt  }
0x4f: {  	_ =	shalt  }
0x50: {  	_ =	shalt  }
0x51: {  	_ =	shalt  }
0x52: {  	_ =	shalt  }
0x53: {  	_ =	shalt  }
0x54: {  	_ =	shalt  }
0x55: {  	_ =	shalt  }
0x56: {  	_ =	shalt  }
0x57: {  	_ =	shalt  }
0x58: {  	_ =	shalt  }
0x59: {  	_ =	shalt  }
0x5a: {  	_ =	shalt  }
0x5b: {  	_ =	shalt  }
0x5c: {  	_ =	shalt  }
0x5d: {  	_ =	shalt  }
0x5e: {  	_ =	shalt  }
0x5f: {  	_ =	shalt  }
0x60: {  	_ =	shalt  }
0x61: {  	_ =	shalt  }
0x62: {  	_ =	shalt  }
0x63: {  	_ =	shalt  }
0x64: {  	_ =	shalt  }
0x65: {  	_ =	shalt  }
0x66: {  	_ =	shalt  }
0x67: {  	_ =	shalt  }
0x68: {  	_ =	shalt  }
0x69: {  	_ =	shalt  }
0x6a: {  	_ =	shalt  }
0x6b: {  	_ =	shalt  }
0x6c: {  	_ =	shalt  }
0x6d: {  	_ =	shalt  }
0x6e: {  	_ =	shalt  }
0x6f: {  	_ =	shalt  }
0x70: {  	_ =	shalt  }
0x71: {  	_ =	shalt  }
0x72: {  	_ =	shalt  }
0x73: {  	_ =	shalt  }
0x74: {  	_ =	shalt  }
0x75: {  	_ =	shalt  }
0x76: {  	_ =	shalt  }
0x77: {  	_ =	shalt  }
0x78: {  	_ =	shalt  }
0x79: {  	_ =	shalt  }
0x7a: {  	_ =	shalt  }
0x7b: {  	_ =	shalt  }
0x7c: {  	_ =	shalt  }
0x7d: {  	_ =	shalt  }
0x7e: {  	_ =	shalt  }
0x7f: {  	_ =	shalt  }
0x80: {  	_ =	shalt  }
0x81: {  	_ =	shalt  }
0x82: {  	_ =	shalt  }
0x83: {  	_ =	shalt  }
0x84: {  	_ =	shalt  }
0x85: {  	_ =	shalt  }
0x86: {  	_ =	shalt  }
0x87: {  	_ =	shalt  }
.Lfunc_end0:
.L_simem_size_0:
called_computation_lowered:
.L_overlay_start_0:
0x88: {  	s2 =	sld [smem:$0x3FD9]  }
0x89: {  	s3 =	sld [smem:$0x3FFE];
	_ =	sdelay $0x1  }
0x8a: {  	s1 =	srdreg.scid  }
0x8b: {  	s0 =	sand.u32 $0x1, s1  }
0x8c: {  	s14 =	sshll.u32 s0, $0xA;
	s2 =	sadd.s32 s3, s2  }
0x8d: {  	s2 =	sadd.s32 s2, s14  }
0x8e: {  	[smem:$0x3FB6] =	sst s2  }
0x8f: {  	_ = 	snop  }
0x90: {  	s2 =	sld [smem:$0x3FD0];
	_ =	sdelay $0x2  }
0x91: {  	s4 =	simm.s32 $0xA;
	s5 =	simm.s32 $0x10;
	s15 =	sld [smem:$0x3FC6]  }
0x92: {  	[smem:s5], [sflag:s4] =	dma.local [hbm:s2], $0x1  }
0x93: {  	_ =	swait.eq [sflag:s4], $0x1  }
0x94: {  	[sflag:s4] =	ssyncset.done $0x0  }
0x95: {  	[sflag:s4] =	ssyncadd.s32 $0xFFFFFFFF  }
0x96: {  	s16 =	sld [smem:$0x10];
	(tm) =	ssettm $0x1  }
0x97: {  	s17 =	sld [smem:$0x3FFB];
	_ =	sdelay $0x3  }
0x98: {  	_ =	strace s17  }
0x99: {  	s4 =	sld [smem:$0x3FFC];
	_ =	sdelay $0x3  }
0x9a: {  	_ =	strace s4  }
0x9b: {  	s4 =	sld [smem:$0x3FFD];
	_ =	sdelay $0x3  }
0x9c: {  	_ =	strace s4  }
0x9d: {  	_ =	strace $0x8FFFFFFF  }
0x9e: {  	s18 =	sld [smem:$0x3FDB];
	_ =	sdelay $0x1  }
0x9f: {  	s19 =	simm.s32 $_scs_section_size  }
0xa0: {  	s6 =	simm.s32 $_size__tile_overlayer_lowered;
	s7 =	simm.s32 $_tile_overlayer_lowered  }
0xa1: {  	s22 =	simm.s32 $0x1BFF;
	s21 =	sshll.u32 s7, $0x1;
	s4 =	sadd.s32 s19, s18  }
0xa2: {  	s8 =	simm.s32 $0x0;
	s20 =	sshll.u32 s6, $0x1;
	s6 =	sadd.s32 s21, s4  }
0xa3: {  	[timem:s8], [sflag:s22] =	dma.local [hbm:s6], s20  }
0xa4: {  	_ =	swait.ge [sflag:s22], s20  }
0xa5: {  	s5 =	ssub.s32 $0x0, s20;
	[sflag:s22] =	ssyncset.done $0x0  }
0xa6: {  	[sflag:s22] =	ssyncadd.s32 s5;
	_ =	sdelay $0x1  }
0xa7: {  	s23 =	simm.s32 $0x1B8B  }
0xa8: {  	_ =	swait.ge [sflag:s23], $0x1  }
0xa9: {  	[sflag:s23] =	ssyncset.done $0x0  }
0xaa: {  	s25 =	simm.s32 $0x1B8E;
	s24 =	sld [smem:$0x3FFE];
	[sflag:s23] =	ssyncadd.s32 $0xFFFFFFFF  }
0xab: {  	s26 =	simm.s32 $execute0_lowered;
	[smem:$0x3FD2] =	sst s25  }
0xac: {  	s6 =	sshll.u32 s26, $0x1;
	_ =	strace $0x80000046;
	[dreg:$0x1] =	wrdreg $0xFFFFFFFF  }
0xad: {  	s28 =	simm.s32 $_size_execute0_lowered;
	s4 =	sadd.s32 s4, s6;
	[dreg:$0x0] =	wrdreg $0x0  }
0xae: {  	s6 =	sshll.u32 s28, $0x1;
	[dreg:$0x2] =	wrdreg s4  }
0xaf: {  	[dreg:$0x3] =	wrdreg s6  }
0xb0: {  	[dreg:$0x4] =	wrdreg $0xC0  }
0xb1: {  	_ =	task [dreg:s8], $0x5FFFF  }
0xb2: {  	[dreg:$0x1] =	wrdreg $0xFFFFFFFF  }
0xb3: {  	[dreg:$0x0] =	wrdreg $0x60  }
0xb4: {  	[dreg:$0x2] =	wrdreg s16  }
0xb5: {  	[dreg:$0x3] =	wrdreg s15  }
0xb6: {  	[dreg:$0x4] =	wrdreg s24  }
0xb7: {  	[dreg:$0x5] =	wrdreg $0x9  }
0xb8: {  	_ =	task.clear_ibuf [dreg:s8], $0x6FFFF;
	_ =	strace $0x90000046  }
0xb9: {  	s29 =	simm.s32 $0x9;
	_ =	strace $0x80000048  }
0xba: {  	_ =	swait.ge [sflag:s29], $0x1  }
0xbb: {  	[sflag:s29] =	ssyncadd.s32 $0xFFFFFFFF  }
0xbc: {  	_ =	strace $0x90000048  }
0xbd: {  	_ =	sfence  }
0xbe: {  	s30 =	sld [smem:$0x0];
	_ =	sdelay $0x2  }
0xbf: {  	s31 =	sshll.u32 s1, $0xD;
	s1 =	sshrl.u32 s1, $0x2  }
0xc0: {  	s3 =	sand.u32 $0x4000, s31;
	s1 =	sadd.s32 s1, s30  }
0xc1: {  	s0 =	sor.u32 s3, s0;
	s1 =	sshll.u32 s1, $0x11  }
0xc2: {  	s0 =	sor.u32 s1, s0  }
0xc3: {  	s0 =	sadd.s32 $0x8F2B, s0  }
0xc4: {  	[sflag:s0] =	ssyncadd.remote.s32 $0x1  }
0xc5: {  	_ =	sfence.sel $0xFFFF  }
0xc6: {  	[dreg:$0x0] =	wrdreg $0xFFFFFFFF;
	(pc) =	sbr.abs _section_cstart, $3  }
0xc7: {  	[dreg:$0x1] =	wrdreg $0xFFFFFFFF  }
0xc8: {  	_ =	task.clear_ibuf [dreg:s8], $0x2FFFF;
	_ =	strace $0x9FFFFFFF  }
0xc9: {  	(tm) =	ssettm $0x7FFFFFFF  }
tec
execute0_lowered:
.L_overlay_start_1:
0x0: {  	(tag) =	ssettag $0x1  }
0x1: {  	s0 =	srdreg.scid;
	s7 =	stileid.u32  }
0x2: {  	s1 =	sand.u32 $0x1, s0;
	s3 =	smul.u32 $0xC80, s7  }
0x3: {  	s4 =	smul.u32 $0x640, s1;
	_ =	sdelay $0x1  }
0x4: {  	s2 =	rddreg [dreg:$0x1];
	s4 =	sadd.s32 s4, s3  }
0x5: {  	s5 =	rddreg [dreg:$0x2];
	s3 =	sadd.s32 $0x50, s4  }
0x6: {  	s0 =	rddreg [dreg:$0x0];
	s6 =	sshrl.u32 s3, $0x3;
	s3 =	simm.s32 $0x0  }
0x7: {  	s23 =	simm.s32 $0xE80;
	[smem:$0x7FF] =	sst s3  }
0x8: {  	s24 =	simm.s32 $0x1680;
	_ =	strace $0x80000047;
	[dreg:$0x6] =	wrdreg s23  }
0x9: {  	s25 =	simm.s32 $0x1E80;
	[dreg:$0x7] =	wrdreg s24  }
0xa: {  	s26 =	simm.s32 $0x2680;
	[dreg:$0x8] =	wrdreg s25  }
0xb: {  	s8 =	simm.s32 $0x3E80;
	[dreg:$0x9] =	wrdreg s26  }
0xc: {  	s9 =	simm.s32 $0x4680;
	[dreg:$0xc] =	wrdreg s8  }
0xd: {  	s10 =	simm.s32 $0x4E80;
	[dreg:$0xd] =	wrdreg s9  }
0xe: {  	s11 =	simm.s32 $0x5680;
	[dreg:$0xe] =	wrdreg s10  }
0xf: {  	s12 =	simm.s32 $0x5E80;
	[dreg:$0xf] =	wrdreg s11  }
0x10: {  	s13 =	simm.s32 $0x6680;
	[dreg:$0x10] =	wrdreg s12  }
0x11: {  	s14 =	simm.s32 $0x6E80;
	[dreg:$0x11] =	wrdreg s13  }
0x12: {  	s15 =	simm.s32 $0x7680;
	[dreg:$0x12] =	wrdreg s14  }
0x13: {  	s16 =	simm.s32 $0x7E80;
	[dreg:$0x13] =	wrdreg s15  }
0x14: {  	s17 =	simm.s32 $0x8680;
	[dreg:$0x14] =	wrdreg s16  }
0x15: {  	s18 =	simm.s32 $0x8E80;
	[dreg:$0x15] =	wrdreg s17  }
0x16: {  	s19 =	simm.s32 $0x9680;
	[dreg:$0x16] =	wrdreg s18  }
0x17: {  	s20 =	simm.s32 $0x9E80;
	s4 =	sshrl.u32 s4, $0x3;
	[dreg:$0x17] =	wrdreg s19  }
0x18: {  	s21 =	simm.s32 $0xA680;
	s4 =	smul.u32 $0x300, s4;
	[dreg:$0x18] =	wrdreg s20  }
0x19: {  	s22 =	simm.s32 $0xAE80;
	s5 =	sadd.s32 $0x1E00, s5;
	[dreg:$0x19] =	wrdreg s21  }
0x1a: {  	s4 =	sadd.s32 s4, s5;
	[dreg:$0x1a] =	wrdreg s22  }
0x1b: {  	s23 =	simm.s32 $0xB680;
	[dreg:$0x5] =	wrdreg s4  }
0x1c: {  	s24 =	simm.s32 $0xBE80;
	[dreg:$0x1b] =	wrdreg s23  }
0x1d: {  	s25 =	simm.s32 $0xC680;
	[dreg:$0x1c] =	wrdreg s24  }
0x1e: {  	s26 =	simm.s32 $0xCE80;
	[dreg:$0x1d] =	wrdreg s25  }
0x1f: {  	s28 =	simm.s32 $0x2;
	s8 =	simm.s32 $0xE680;
	[dreg:$0x1e] =	wrdreg s26  }
0x20: {  	s29 =	simm.s32 $0x4;
	s10 =	simm.s32 $0xEE80;
	[smem:$0x7ED] =	sst s8  }
0x21: {  	s30 =	simm.s32 $0x3;
	s12 =	simm.s32 $0xFE80;
	[smem:$0x7EE] =	sst s10  }
0x22: {  	s31 =	simm.s32 $0x0;
	s13 =	simm.s32 $0x10680;
	[smem:$0x7EF] =	sst s12  }
0x23: {  	s7 =	sshll.u32 s7, $0x1;
	s14 =	simm.s32 $0x10E80;
	[smem:$0x7F0] =	sst s13  }
0x24: {  	s6 =	smul.u32 $0x300, s6;
	s15 =	simm.s32 $0x11680;
	[smem:$0x7F1] =	sst s14  }
0x25: {  	s9 =	ssub.s32 $0x2, s1;
	s17 =	simm.s32 $0x11E80;
	[smem:$0x7F2] =	sst s15  }
0x26: {  	s1 =	sor.u32 s1, s7;
	s18 =	simm.s32 $0x12680;
	[smem:$0x7F3] =	sst s17  }
0x27: {  	s19 =	simm.s32 $0x12E80;
	s20 =	simm.s32 $0x13680;
	[smem:$0x7F5] =	sst s18  }
0x28: {  	s21 =	simm.s32 $0x13E80;
	s6 =	sadd.s32 s6, s5;
	[smem:$0x7F6] =	sst s19  }
0x29: {  	s5 =	simm.s32 $0x2E80;
	s11 =	sshrl.u32 s9, $0x1;
	[smem:$0x7F7] =	sst s20  }
0x2a: {  	s1 =	smul.u32 $0x640, s1;
	[smem:$0x7F9] =	sst s21;
	s23 =	simm.s32 $0x14680  }
0x2b: {  	s8 =	simm.s32 $0x1;
	s24 =	simm.s32 $0x14E80;
	s25 =	simm.s32 $0x15680  }
0x2c: {  	s10 =	simm.s32 $0xF680;
	s26 =	simm.s32 $0x15E80;
	s12 =	simm.s32 $0x16E80  }
0x2d: {  	s13 =	simm.s32 $0x17680;
	s14 =	simm.s32 $0x17E80;
	[dreg:$0x4] =	wrdreg s6  }
0x2e: {  	s15 =	simm.s32 $0x18680;
	s17 =	simm.s32 $0x19680;
	[dreg:$0xa] =	wrdreg s5  }
0x2f: {  	s18 =	simm.s32 $0x19E80;
	s19 =	simm.s32 $0x1A680;
	[smem:$0x7FA] =	sst s23  }
0x30: {  	s20 =	simm.s32 $0x1AE80;
	s21 =	simm.s32 $0x1B680;
	[smem:$0x7FB] =	sst s24  }
0x31: {  	s6 =	simm.s32 $0x3680;
	s5 =	simm.s32 $0xD680;
	[smem:$0x7FC] =	sst s25  }
0x32: {  	s16 =	ssub.s32 s9, s11;
	s9 =	simm.s32 $0x680;
	[smem:$0x7FD] =	sst s26  }
0x33: {  	s11 =	simm.s32 $0x16680;
	s23 =	simm.s32 $0x1C680;
	s24 =	simm.s32 $0x1CE80  }
0x34: {  	s25 =	simm.s32 $0x1D680;
	s26 =	simm.s32 $0x1DE80;
	[dreg:$0xb] =	wrdreg s6  }
0x35: {  	[dreg:$0x1f] =	wrdreg s5;
	s6 =	simm.s32 $0xDE80;
	s1 =	sshrl.u32 s1, $0x3  }
0x36: {  	v2 =	vlaneseq.u32;
	s5 =	sadd.s32 $0x100, s2;
	s22 =	smax.u32 s16, $0x1;
	[smem:$0x7EC] =	sst s6  }
0x37: {  	vm0 =	vmmov $0xffff;
	v1 =	vshrl.u32 v2, $0x3;
	s16 =	simm.s32 $0x18E80;
	s0 =	sadd.s32 s0, s1;
	[smem:$0x7F8] =	sst s22  }
0x38: {  	v0 =	vand.u32 $0x7, v2;
	v2 =	vor.u32 $0x8, v2;
	v1 =	vmul.u32 $0x8, v1;
	s6 =	sadd.s32 $0x200, s2;
	s22 =	simm.s32 $0x1BE80;
	[smem:$0x7F4] =	sst s0  }
.LBB2_1:
0x39: {  	s0 =	sld [smem:$0x7F4];
	_ =	sdelay $0x2  }
0x3a: {  	[tilespmem:s3], [sflag:$0x1] =	stream.linear.gather [hbm4b:s0+s3], $0x640, $0x38;
	[tilespmem:$0x1E680] =	vst v63  }
0x3b: {  	_ =	swait.ge [sflag:s8], $0x640  }
0x3c: {  	[sflag:s8] =	ssyncset.done $0x0  }
0x3d: {  	s1 =	simm.s32 $0x50;
	s0 =	simm.s32 $0x0;
	[sflag:s8] =	ssyncadd.s32 $0xFFFFF9C0  }
.LBB2_2:
0x3e: {  	v3 =	vld [tilespmem:s1+$0xFFFFFFB0];
	_ =	sdelay $0x4  }
0x3f: {  	v4 =	vshrl.u32 v3, $0x3  }
0x40: {  	v4 =	vmul.u32 $0x30, v4  }
0x41: {  	v3 =	vand.u32 $0x7, v3  }
0x42: {  	v3 =	vor.u32 v3, v4  }
0x43: {  	v4 =	vperm.xlane v3, v0;
	_ =	sdelay $0x1  }
0x44: {  	v4 =	vadd.s32 v1, v4;
	_ =	sdelay $0x3  }
0x45: {  	v3 =	vperm.xlane v3, v2  }
0x46: {  	[tilespmem:s9], [sflag:$0x2] =	stream.indirect_vreg.gather [hbm4b:s2+s3], $0x80, v4, vm0, $0xb8;
	[tilespmem:$0x1E680] =	vst v63  }
0x47: {  	s4 =	rddreg [dreg:$0x6];
	v3 =	vadd.s32 v1, v3  }
0x48: {  	[tilespmem:s4], [sflag:$0x2] =	stream.indirect_vreg.gather [hbm4b:s5+s3], $0x80, v4, vm0, $0xb8;
	[tilespmem:$0x1E680] =	vst v63  }
0x49: {  	s7 =	rddreg [dreg:$0x7]  }
0x4a: {  	[tilespmem:s7], [sflag:$0x2] =	stream.indirect_vreg.gather [hbm4b:s6+s3], $0x80, v4, vm0, $0xb8;
	[tilespmem:$0x1E680] =	vst v63  }
0x4b: {  	s4 =	rddreg [dreg:$0x8]  }
0x4c: {  	[tilespmem:s4], [sflag:$0x2] =	stream.indirect_vreg.gather [hbm4b:s2+s3], $0x80, v3, vm0, $0xb8;
	[tilespmem:$0x1E680] =	vst v63  }
0x4d: {  	s7 =	rddreg [dreg:$0x9]  }
0x4e: {  	[tilespmem:s7], [sflag:$0x2] =	stream.indirect_vreg.gather [hbm4b:s5+s3], $0x80, v3, vm0, $0xb8;
	[tilespmem:$0x1E680] =	vst v63  }
0x4f: {  	s4 =	rddreg [dreg:$0xa]  }
0x50: {  	[tilespmem:s4], [sflag:$0x2] =	stream.indirect_vreg.gather [hbm4b:s6+s3], $0x80, v3, vm0, $0xb8;
	[tilespmem:$0x1E680] =	vst v63  }
0x51: {  	v3 =	vld [tilespmem:s1+$0xFFFFFFC0];
	_ =	sdelay $0x4  }
0x52: {  	v55 =	vshrl.u32 v3, $0x3  }
0x53: {  	v4 =	vmul.u32 $0x30, v55  }
0x54: {  	v3 =	vand.u32 $0x7, v3  }
0x55: {  	v3 =	vor.u32 v3, v4  }
0x56: {  	v4 =	vperm.xlane v3, v0;
	_ =	sdelay $0x1  }
0x57: {  	v4 =	vadd.s32 v1, v4;
	_ =	sdelay $0x3  }
0x58: {  	s4 =	rddreg [dreg:$0xb];
	v3 =	vperm.xlane v3, v2  }
0x59: {  	[tilespmem:s4], [sflag:$0x2] =	stream.indirect_vreg.gather [hbm4b:s2+s3], $0x80, v4, vm0, $0xb8;
	[tilespmem:$0x1E680] =	vst v63  }
0x5a: {  	s7 =	rddreg [dreg:$0xc];
	v3 =	vadd.s32 v1, v3  }
0x5b: {  	[tilespmem:s7], [sflag:$0x2] =	stream.indirect_vreg.gather [hbm4b:s5+s3], $0x80, v4, vm0, $0xb8;
	[tilespmem:$0x1E680] =	vst v63  }
0x5c: {  	s4 =	rddreg [dreg:$0xd]  }
0x5d: {  	[tilespmem:s4], [sflag:$0x2] =	stream.indirect_vreg.gather [hbm4b:s6+s3], $0x80, v4, vm0, $0xb8;
	[tilespmem:$0x1E680] =	vst v63  }
0x5e: {  	s7 =	rddreg [dreg:$0xe]  }
0x5f: {  	[tilespmem:s7], [sflag:$0x2] =	stream.indirect_vreg.gather [hbm4b:s2+s3], $0x80, v3, vm0, $0xb8;
	[tilespmem:$0x1E680] =	vst v63  }
0x60: {  	s4 =	rddreg [dreg:$0xf]  }
0x61: {  	[tilespmem:s4], [sflag:$0x2] =	stream.indirect_vreg.gather [hbm4b:s5+s3], $0x80, v3, vm0, $0xb8;
	[tilespmem:$0x1E680] =	vst v63  }
0x62: {  	s7 =	rddreg [dreg:$0x10]  }
0x63: {  	[tilespmem:s7], [sflag:$0x2] =	stream.indirect_vreg.gather [hbm4b:s6+s3], $0x80, v3, vm0, $0xb8;
	[tilespmem:$0x1E680] =	vst v63  }
0x64: {  	v3 =	vld [tilespmem:s1+$0xFFFFFFD0];
	_ =	sdelay $0x4  }
0x65: {  	v56 =	vshrl.u32 v3, $0x3  }
0x66: {  	v4 =	vmul.u32 $0x30, v56  }
0x67: {  	v3 =	vand.u32 $0x7, v3  }
0x68: {  	v3 =	vor.u32 v3, v4  }
0x69: {  	v4 =	vperm.xlane v3, v0;
	_ =	sdelay $0x1  }
0x6a: {  	v4 =	vadd.s32 v1, v4;
	_ =	sdelay $0x3  }
0x6b: {  	s4 =	rddreg [dreg:$0x11];
	v3 =	vperm.xlane v3, v2  }
0x6c: {  	[tilespmem:s4], [sflag:$0x2] =	stream.indirect_vreg.gather [hbm4b:s2+s3], $0x80, v4, vm0, $0xb8;
	[tilespmem:$0x1E680] =	vst v63  }
0x6d: {  	s7 =	rddreg [dreg:$0x12];
	v3 =	vadd.s32 v1, v3  }
0x6e: {  	[tilespmem:s7], [sflag:$0x2] =	stream.indirect_vreg.gather [hbm4b:s5+s3], $0x80, v4, vm0, $0xb8;
	[tilespmem:$0x1E680] =	vst v63  }
0x6f: {  	s4 =	rddreg [dreg:$0x13]  }
0x70: {  	[tilespmem:s4], [sflag:$0x2] =	stream.indirect_vreg.gather [hbm4b:s6+s3], $0x80, v4, vm0, $0xb8;
	[tilespmem:$0x1E680] =	vst v63  }
0x71: {  	s7 =	rddreg [dreg:$0x14]  }
0x72: {  	[tilespmem:s7], [sflag:$0x2] =	stream.indirect_vreg.gather [hbm4b:s2+s3], $0x80, v3, vm0, $0xb8;
	[tilespmem:$0x1E680] =	vst v63  }
0x73: {  	s4 =	rddreg [dreg:$0x15]  }
0x74: {  	[tilespmem:s4], [sflag:$0x2] =	stream.indirect_vreg.gather [hbm4b:s5+s3], $0x80, v3, vm0, $0xb8;
	[tilespmem:$0x1E680] =	vst v63  }
0x75: {  	s7 =	rddreg [dreg:$0x16]  }
0x76: {  	[tilespmem:s7], [sflag:$0x2] =	stream.indirect_vreg.gather [hbm4b:s6+s3], $0x80, v3, vm0, $0xb8;
	[tilespmem:$0x1E680] =	vst v63  }
0x77: {  	v3 =	vld [tilespmem:s1+$0xFFFFFFE0];
	_ =	sdelay $0x4  }
0x78: {  	v57 =	vshrl.u32 v3, $0x3  }
0x79: {  	v4 =	vmul.u32 $0x30, v57  }
0x7a: {  	v3 =	vand.u32 $0x7, v3  }
0x7b: {  	v3 =	vor.u32 v3, v4  }
0x7c: {  	v4 =	vperm.xlane v3, v0;
	_ =	sdelay $0x1  }
0x7d: {  	v4 =	vadd.s32 v1, v4;
	_ =	sdelay $0x3  }
0x7e: {  	s4 =	rddreg [dreg:$0x17];
	v3 =	vperm.xlane v3, v2  }
0x7f: {  	[tilespmem:s4], [sflag:$0x2] =	stream.indirect_vreg.gather [hbm4b:s2+s3], $0x80, v4, vm0, $0xb8;
	[tilespmem:$0x1E680] =	vst v63  }
0x80: {  	s7 =	rddreg [dreg:$0x18];
	v3 =	vadd.s32 v1, v3  }
0x81: {  	[tilespmem:s7], [sflag:$0x2] =	stream.indirect_vreg.gather [hbm4b:s5+s3], $0x80, v4, vm0, $0xb8;
	[tilespmem:$0x1E680] =	vst v63  }
0x82: {  	s4 =	rddreg [dreg:$0x19]  }
0x83: {  	[tilespmem:s4], [sflag:$0x2] =	stream.indirect_vreg.gather [hbm4b:s6+s3], $0x80, v4, vm0, $0xb8;
	[tilespmem:$0x1E680] =	vst v63  }
0x84: {  	s7 =	rddreg [dreg:$0x1a]  }
0x85: {  	[tilespmem:s7], [sflag:$0x2] =	stream.indirect_vreg.gather [hbm4b:s2+s3], $0x80, v3, vm0, $0xb8;
	[tilespmem:$0x1E680] =	vst v63  }
0x86: {  	s4 =	rddreg [dreg:$0x1b]  }
0x87: {  	[tilespmem:s4], [sflag:$0x2] =	stream.indirect_vreg.gather [hbm4b:s5+s3], $0x80, v3, vm0, $0xb8;
	[tilespmem:$0x1E680] =	vst v63  }
0x88: {  	s7 =	rddreg [dreg:$0x1c]  }
0x89: {  	[tilespmem:s7], [sflag:$0x2] =	stream.indirect_vreg.gather [hbm4b:s6+s3], $0x80, v3, vm0, $0xb8;
	[tilespmem:$0x1E680] =	vst v63  }
0x8a: {  	v3 =	vld [tilespmem:s1+$0xFFFFFFF0];
	_ =	sdelay $0x4  }
0x8b: {  	v58 =	vshrl.u32 v3, $0x3  }
0x8c: {  	v4 =	vmul.u32 $0x30, v58  }
0x8d: {  	v3 =	vand.u32 $0x7, v3  }
0x8e: {  	v3 =	vor.u32 v3, v4  }
0x8f: {  	v4 =	vperm.xlane v3, v0;
	_ =	sdelay $0x1  }
0x90: {  	v4 =	vadd.s32 v1, v4;
	_ =	sdelay $0x2  }
0x91: {  	s4 =	rddreg [dreg:$0x1d]  }
0x92: {  	s7 =	rddreg [dreg:$0x1e];
	v3 =	vperm.xlane v3, v2  }
0x93: {  	[tilespmem:s4], [sflag:$0x2] =	stream.indirect_vreg.gather [hbm4b:s2+s3], $0x80, v4, vm0, $0xb8;
	[tilespmem:$0x1E680] =	vst v63  }
0x94: {  	v3 =	vadd.s32 v1, v3;
	s4 =	rddreg [dreg:$0x1f]  }
0x95: {  	[tilespmem:s7], [sflag:$0x2] =	stream.indirect_vreg.gather [hbm4b:s5+s3], $0x80, v4, vm0, $0xb8;
	[tilespmem:$0x1E680] =	vst v63  }
0x96: {  	s7 =	sld [smem:$0x7EC]  }
0x97: {  	[tilespmem:s4], [sflag:$0x2] =	stream.indirect_vreg.gather [hbm4b:s6+s3], $0x80, v4, vm0, $0xb8;
	[tilespmem:$0x1E680] =	vst v63  }
0x98: {  	s4 =	sld [smem:$0x7ED]  }
0x99: {  	[tilespmem:s7], [sflag:$0x2] =	stream.indirect_vreg.gather [hbm4b:s2+s3], $0x80, v3, vm0, $0xb8;
	[tilespmem:$0x1E680] =	vst v63  }
0x9a: {  	s7 =	sld [smem:$0x7EE]  }
0x9b: {  	[tilespmem:s4], [sflag:$0x2] =	stream.indirect_vreg.gather [hbm4b:s5+s3], $0x80, v3, vm0, $0xb8;
	[tilespmem:$0x1E680] =	vst v63  }
0x9c: {  	_ = 	snop  }
0x9d: {  	[tilespmem:s7], [sflag:$0x2] =	stream.indirect_vreg.gather [hbm4b:s6+s3], $0x80, v3, vm0, $0xb8;
	[tilespmem:$0x1E680] =	vst v63  }
0x9e: {  	v3 =	vld [tilespmem:s1+$0x0];
	_ =	sdelay $0x4  }
0x9f: {  	v59 =	vshrl.u32 v3, $0x3  }
0xa0: {  	v4 =	vmul.u32 $0x30, v59  }
0xa1: {  	v3 =	vand.u32 $0x7, v3  }
0xa2: {  	v3 =	vor.u32 v3, v4  }
0xa3: {  	v4 =	vperm.xlane v3, v0;
	_ =	sdelay $0x1  }
0xa4: {  	v4 =	vadd.s32 v1, v4;
	_ =	sdelay $0x3  }
0xa5: {  	s4 =	sld [smem:$0x7EF];
	v3 =	vperm.xlane v3, v2  }
0xa6: {  	[tilespmem:s10], [sflag:$0x3] =	stream.indirect_vreg.gather [hbm4b:s2+s3], $0x80, v4, vm0, $0xb8;
	[tilespmem:$0x1E680] =	vst v63  }
0xa7: {  	s7 =	sld [smem:$0x7F0];
	v3 =	vadd.s32 v1, v3  }
0xa8: {  	[tilespmem:s4], [sflag:$0x3] =	stream.indirect_vreg.gather [hbm4b:s5+s3], $0x80, v4, vm0, $0xb8;
	[tilespmem:$0x1E680] =	vst v63  }
0xa9: {  	s4 =	sld [smem:$0x7F1]  }
0xaa: {  	[tilespmem:s7], [sflag:$0x3] =	stream.indirect_vreg.gather [hbm4b:s6+s3], $0x80, v4, vm0, $0xb8;
	[tilespmem:$0x1E680] =	vst v63  }
0xab: {  	s7 =	sld [smem:$0x7F2]  }
0xac: {  	[tilespmem:s4], [sflag:$0x3] =	stream.indirect_vreg.gather [hbm4b:s2+s3], $0x80, v3, vm0, $0xb8;
	[tilespmem:$0x1E680] =	vst v63  }
0xad: {  	s4 =	sld [smem:$0x7F3]  }
0xae: {  	[tilespmem:s7], [sflag:$0x3] =	stream.indirect_vreg.gather [hbm4b:s5+s3], $0x80, v3, vm0, $0xb8;
	[tilespmem:$0x1E680] =	vst v63  }
0xaf: {  	_ = 	snop  }
0xb0: {  	[tilespmem:s4], [sflag:$0x3] =	stream.indirect_vreg.gather [hbm4b:s6+s3], $0x80, v3, vm0, $0xb8;
	[tilespmem:$0x1E680] =	vst v63  }
0xb1: {  	v3 =	vld [tilespmem:s1+$0x10];
	_ =	sdelay $0x4  }
0xb2: {  	v60 =	vshrl.u32 v3, $0x3  }
0xb3: {  	v4 =	vmul.u32 $0x30, v60  }
0xb4: {  	v3 =	vand.u32 $0x7, v3  }
0xb5: {  	v3 =	vor.u32 v3, v4  }
0xb6: {  	v4 =	vperm.xlane v3, v0;
	_ =	sdelay $0x1  }
0xb7: {  	v4 =	vadd.s32 v1, v4;
	_ =	sdelay $0x1  }
0xb8: {  	s4 =	sld [smem:$0x7F5];
	_ =	sdelay $0x1  }
0xb9: {  	s7 =	sld [smem:$0x7F6];
	v3 =	vperm.xlane v3, v2  }
0xba: {  	[tilespmem:s4], [sflag:$0x3] =	stream.indirect_vreg.gather [hbm4b:s2+s3], $0x80, v4, vm0, $0xb8;
	[tilespmem:$0x1E680] =	vst v63  }
0xbb: {  	v3 =	vadd.s32 v1, v3;
	s4 =	sld [smem:$0x7F7]  }
0xbc: {  	[tilespmem:s7], [sflag:$0x3] =	stream.indirect_vreg.gather [hbm4b:s5+s3], $0x80, v4, vm0, $0xb8;
	[tilespmem:$0x1E680] =	vst v63  }
0xbd: {  	s7 =	sld [smem:$0x7F9]  }
0xbe: {  	[tilespmem:s4], [sflag:$0x3] =	stream.indirect_vreg.gather [hbm4b:s6+s3], $0x80, v4, vm0, $0xb8;
	[tilespmem:$0x1E680] =	vst v63  }
0xbf: {  	s4 =	sld [smem:$0x7FA]  }
0xc0: {  	[tilespmem:s7], [sflag:$0x3] =	stream.indirect_vreg.gather [hbm4b:s2+s3], $0x80, v3, vm0, $0xb8;
	[tilespmem:$0x1E680] =	vst v63  }
0xc1: {  	s7 =	sld [smem:$0x7FB]  }
0xc2: {  	[tilespmem:s4], [sflag:$0x3] =	stream.indirect_vreg.gather [hbm4b:s5+s3], $0x80, v3, vm0, $0xb8;
	[tilespmem:$0x1E680] =	vst v63  }
0xc3: {  	_ = 	snop  }
0xc4: {  	[tilespmem:s7], [sflag:$0x3] =	stream.indirect_vreg.gather [hbm4b:s6+s3], $0x80, v3, vm0, $0xb8;
	[tilespmem:$0x1E680] =	vst v63  }
0xc5: {  	v3 =	vld [tilespmem:s1+$0x20];
	_ =	sdelay $0x4  }
0xc6: {  	v61 =	vshrl.u32 v3, $0x3  }
0xc7: {  	v4 =	vmul.u32 $0x30, v61  }
0xc8: {  	v3 =	vand.u32 $0x7, v3  }
0xc9: {  	v3 =	vor.u32 v3, v4  }
0xca: {  	v4 =	vperm.xlane v3, v0;
	_ =	sdelay $0x1  }
0xcb: {  	v4 =	vadd.s32 v1, v4;
	_ =	sdelay $0x1  }
0xcc: {  	s4 =	sld [smem:$0x7FC];
	_ =	sdelay $0x1  }
0xcd: {  	s7 =	sld [smem:$0x7FD];
	v3 =	vperm.xlane v3, v2  }
0xce: {  	[tilespmem:s4], [sflag:$0x3] =	stream.indirect_vreg.gather [hbm4b:s2+s3], $0x80, v4, vm0, $0xb8;
	[tilespmem:$0x1E680] =	vst v63  }
0xcf: {  	v3 =	vadd.s32 v1, v3  }
0xd0: {  	[tilespmem:s7], [sflag:$0x3] =	stream.indirect_vreg.gather [hbm4b:s5+s3], $0x80, v4, vm0, $0xb8;
	[tilespmem:$0x1E680] =	vst v63  }
0xd1: {  	_ = 	snop  }
0xd2: {  	[tilespmem:s11], [sflag:$0x3] =	stream.indirect_vreg.gather [hbm4b:s6+s3], $0x80, v4, vm0, $0xb8;
	[tilespmem:$0x1E680] =	vst v63  }
0xd3: {  	_ = 	snop  }
0xd4: {  	[tilespmem:s12], [sflag:$0x3] =	stream.indirect_vreg.gather [hbm4b:s2+s3], $0x80, v3, vm0, $0xb8;
	[tilespmem:$0x1E680] =	vst v63  }
0xd5: {  	_ = 	snop  }
0xd6: {  	[tilespmem:s13], [sflag:$0x3] =	stream.indirect_vreg.gather [hbm4b:s5+s3], $0x80, v3, vm0, $0xb8;
	[tilespmem:$0x1E680] =	vst v63  }
0xd7: {  	_ = 	snop  }
0xd8: {  	[tilespmem:s14], [sflag:$0x3] =	stream.indirect_vreg.gather [hbm4b:s6+s3], $0x80, v3, vm0, $0xb8;
	[tilespmem:$0x1E680] =	vst v63  }
0xd9: {  	v3 =	vld [tilespmem:s1+$0x30];
	_ =	sdelay $0x4  }
0xda: {  	v62 =	vshrl.u32 v3, $0x3  }
0xdb: {  	v4 =	vmul.u32 $0x30, v62  }
0xdc: {  	v3 =	vand.u32 $0x7, v3  }
0xdd: {  	v3 =	vor.u32 v3, v4  }
0xde: {  	v4 =	vperm.xlane v3, v0;
	_ =	sdelay $0x1  }
0xdf: {  	v4 =	vadd.s32 v1, v4;
	_ =	sdelay $0x3  }
0xe0: {  	v3 =	vperm.xlane v3, v2  }
0xe1: {  	[tilespmem:s15], [sflag:$0x3] =	stream.indirect_vreg.gather [hbm4b:s2+s3], $0x80, v4, vm0, $0xb8;
	[tilespmem:$0x1E680] =	vst v63  }
0xe2: {  	v3 =	vadd.s32 v1, v3  }
0xe3: {  	[tilespmem:s16], [sflag:$0x3] =	stream.indirect_vreg.gather [hbm4b:s5+s3], $0x80, v4, vm0, $0xb8;
	[tilespmem:$0x1E680] =	vst v63  }
0xe4: {  	_ = 	snop  }
0xe5: {  	[tilespmem:s17], [sflag:$0x3] =	stream.indirect_vreg.gather [hbm4b:s6+s3], $0x80, v4, vm0, $0xb8;
	[tilespmem:$0x1E680] =	vst v63  }
0xe6: {  	_ = 	snop  }
0xe7: {  	[tilespmem:s18], [sflag:$0x3] =	stream.indirect_vreg.gather [hbm4b:s2+s3], $0x80, v3, vm0, $0xb8;
	[tilespmem:$0x1E680] =	vst v63  }
0xe8: {  	_ = 	snop  }
0xe9: {  	[tilespmem:s19], [sflag:$0x3] =	stream.indirect_vreg.gather [hbm4b:s5+s3], $0x80, v3, vm0, $0xb8;
	[tilespmem:$0x1E680] =	vst v63  }
0xea: {  	_ = 	snop  }
0xeb: {  	[tilespmem:s20], [sflag:$0x3] =	stream.indirect_vreg.gather [hbm4b:s6+s3], $0x80, v3, vm0, $0xb8;
	[tilespmem:$0x1E680] =	vst v63  }
0xec: {  	v3 =	vld [tilespmem:s1+$0x40];
	_ =	sdelay $0x4  }
0xed: {  	v63 =	vshrl.u32 v3, $0x3  }
0xee: {  	v4 =	vmul.u32 $0x30, v63  }
0xef: {  	v3 =	vand.u32 $0x7, v3  }
0xf0: {  	v3 =	vor.u32 v3, v4  }
0xf1: {  	v4 =	vperm.xlane v3, v0;
	_ =	sdelay $0x1  }
0xf2: {  	v4 =	vadd.s32 v1, v4;
	_ =	sdelay $0x3  }
0xf3: {  	v3 =	vperm.xlane v3, v2  }
0xf4: {  	[tilespmem:s21], [sflag:$0x3] =	stream.indirect_vreg.gather [hbm4b:s2+s3], $0x80, v4, vm0, $0xb8;
	[tilespmem:$0x1E680] =	vst v63  }
0xf5: {  	v3 =	vadd.s32 v1, v3  }
0xf6: {  	[tilespmem:s22], [sflag:$0x3] =	stream.indirect_vreg.gather [hbm4b:s5+s3], $0x80, v4, vm0, $0xb8;
	[tilespmem:$0x1E680] =	vst v63  }
0xf7: {  	_ = 	snop  }
0xf8: {  	[tilespmem:s23], [sflag:$0x3] =	stream.indirect_vreg.gather [hbm4b:s6+s3], $0x80, v4, vm0, $0xb8;
	[tilespmem:$0x1E680] =	vst v63  }
0xf9: {  	_ = 	snop  }
0xfa: {  	[tilespmem:s24], [sflag:$0x3] =	stream.indirect_vreg.gather [hbm4b:s2+s3], $0x80, v3, vm0, $0xb8;
	[tilespmem:$0x1E680] =	vst v63  }
0xfb: {  	_ = 	snop  }
0xfc: {  	[tilespmem:s25], [sflag:$0x3] =	stream.indirect_vreg.gather [hbm4b:s5+s3], $0x80, v3, vm0, $0xb8;
	[tilespmem:$0x1E680] =	vst v63  }
0xfd: {  	_ = 	snop  }
0xfe: {  	[tilespmem:s26], [sflag:$0x3] =	stream.indirect_vreg.gather [hbm4b:s6+s3], $0x80, v3, vm0, $0xb8;
	[tilespmem:$0x1E680] =	vst v63  }
0xff: {  	_ =	swait.ge [sflag:s28], $0xF000  }
0x100: {  	s7 =	rddreg [dreg:$0x5];
	[sflag:s28] =	ssyncset.done $0x0  }
0x101: {  	[sflag:s28] =	ssyncadd.s32 $0xFFFF1000;
	s4 =	sadd.s32 s0, s7  }
0x102: {  	[hbm4b:s4+s3] =	stream.linear.scatter [tilespmem:s9], [sflag:$0x4], $0xF000, $0x38;
	[tilespmem:$0x1E680] =	vst v63  }
0x103: {  	_ =	swait.ge [sflag:s29], $0xF000  }
0x104: {  	[sflag:s29] =	ssyncset.done $0x0  }
0x105: {  	[sflag:s29] =	ssyncadd.s32 $0xFFFF1000  }
0x106: {  	_ =	swait.ge [sflag:s30], $0xF000  }
0x107: {  	p0 =	sne.s32 s0, $0x21C00;
	s7 =	rddreg [dreg:$0x4];
	[sflag:s30] =	ssyncset.done $0x0  }
.Ltmp0:
0x108: {  	[sflag:s30] =	ssyncadd.s32 $0xFFFF1000;
	s4 =	sadd.s32 s0, s7;
	(pc) =	sbr.rel @p0 .LBB2_2-.Ltmp0, $4  }
0x109: {  	[hbm4b:s4+s3] =	stream.linear.scatter [tilespmem:s10], [sflag:$0x4], $0xF000, $0x38;
	[tilespmem:$0x1E680] =	vst v63  }
0x10a: {  	_ =	swait.ge [sflag:s29], $0xF000  }
0x10b: {  	[sflag:s29] =	ssyncset.done $0x0  }
0x10c: {  	s1 =	sadd.s32 $0xA0, s1;
	s0 =	sadd.s32 $0x3C00, s0;
	[sflag:s29] =	ssyncadd.s32 $0xFFFF1000  }
0x10d: {  	s0 =	sld [smem:$0x7F8];
	_ =	sdelay $0x1  }
0x10e: {  	s31 =	sadd.s32 $0x1, s31  }
0x10f: {  	p0 =	sne.s32 s31, s0  }
.Ltmp1:
0x110: {  	_ = 	snop;
	(pc) =	sbr.rel @p0 .LBB2_1-.Ltmp1, $1  }
0x111: {  	_ =	sdelay $0x3  }
0x112: {  	_ =	sfence.sel $0x180000  }
0x113: {  	[bflag:$0x0] =	sbarrier.arrive $0xFFFF  }
0x114: {  	_ =	strace $0x90000047  }
0x115: {  	s0 =	stileid.u32;
	[bflag:$0x2] =	sbarrier.arrive $0xFFFF  }
0x116: {  	p0 =	sne.s32 s0, $0x0;
	s0 =	rddreg [dreg:$0x3]  }
0x117: {  	s0 =	sadd.s32 @!p0 $0x100000, s0  }
0x118: {  	[sflag:s0] =	ssyncadd.tile.s32 @!p0 $0x1;
	_ =	shalt  }
.Lfunc_end2:
_tile_overlayer_lowered:
.L_overlay_start_2:
0x119: {  	(tag) =	ssettag $0x2  }
0x11a: {  	s0 =	rddreg [dreg:$0x0];
	s2 =	stileid.u32  }
0x11b: {  	s1 =	rddreg [dreg:$0x1];
	p0 =	sne.s32 s2, $0x0  }
0x11c: {  	s3 =	rddreg [dreg:$0x2];
	[bflag:$0x3] =	sbarrier.arrive $0xFFFF;
	s2 =	simm.s32 @!p0 $0x1C04  }
0x11d: {  	[timem:s3], [sflag:s2] =	dma.local @!p0 [hbm:s0], s1  }
0x11e: {  	s0 =	simm.s32 @!p0 $0x4  }
0x11f: {  	_ =	swait.ge @!p0 [sflag:s0], s1  }
0x120: {  	s1 =	ssub.s32 @!p0 $0x0, s1;
	[sflag:s0] =	ssyncset.done @!p0 $0x0  }
0x121: {  	[sflag:s0] =	ssyncadd.s32 @!p0 s1  }
0x122: {  	[bflag:$0x3] =	sbarrier.arrive $0xFFFF  }
0x123: {  	_ =	shalt  }

</sc_bundles>
